<compile_context>
chip_gen: v7x
topology: tpu7x:2x2x1
jax: 0.10.2.dev20260603
libtpu: 0.0.44.dev20260713+nightly
codegen_flags: <defaults>
</compile_context>

<pallas_src>
import functools

import jax
import jax.numpy as jnp
from jax import lax
from jax.experimental import pallas as pl
from jax.experimental.pallas import tpu as pltpu
from jax.experimental.pallas import tpu_sc as plsc

_L = 50
_LP = 56
_HID = 128
_DIM = 2 * _HID
_NC = 2
_NS = 16


def _sc_gather(idx2d, emb):
    nw = _NC * _NS
    n_sessions = idx2d.shape[0]
    total_rows = n_sessions * _LP
    rows_per_w = total_rows // nw
    chunk = 112
    n_chunks = rows_per_w // chunk
    h = emb.shape[1]
    idx_rows = idx2d.reshape(-1, chunk)
    mesh = plsc.VectorSubcoreMesh(core_axis_name="c", subcore_axis_name="s")

    @functools.partial(
        pl.kernel,
        mesh=mesh,
        out_type=jax.ShapeDtypeStruct((total_rows, h), jnp.float32),
        scratch_types=[
            pltpu.VMEM((n_chunks, chunk), jnp.int32),
            pltpu.VMEM((rows_per_w, h), jnp.float32),
            pltpu.SemaphoreType.DMA,
            pltpu.SemaphoreType.DMA,
        ],
        compiler_params=pltpu.CompilerParams(use_tc_tiling_on_sc=True),
    )
    def gather_kernel(idx_hbm, emb_hbm, out_hbm, idx_v, rows_v, gsem, wsem):
        wid = lax.axis_index("s") * _NC + lax.axis_index("c")
        pltpu.sync_copy(idx_hbm.at[pl.ds(wid * n_chunks, n_chunks)], idx_v)
        copies = [
            pltpu.async_copy(
                emb_hbm.at[idx_v.at[c]],
                rows_v.at[pl.ds(c * chunk, chunk)],
                gsem,
            )
            for c in range(n_chunks)
        ]
        writes = []
        for c in range(n_chunks):
            copies[c].wait()
            writes.append(pltpu.async_copy(
                rows_v.at[pl.ds(c * chunk, chunk)],
                out_hbm.at[pl.ds(wid * rows_per_w + c * chunk, chunk)],
                wsem,
            ))
        for wr in writes:
            wr.wait()

    return gather_kernel(idx_rows, emb)


def _tc_gnn(h_pad, pos_p, a_pad, win_t, wout_t, wih_t, whh_t,
            b_in, b_out, b_ih, b_hh, b_iah, b_oah, bb):
    n_sessions = a_pad.shape[0]
    r = bb * _LP

    def body(h_ref, p_ref, a_ref, win_ref, wout_ref, wih_ref,
             whh_ref, bin_ref, bout_ref, bih_ref, bhh_ref, biah_ref,
             boah_ref, out_ref, scr):
        x = h_ref[...]
        nrm = jnp.sqrt(jnp.sum(x * x, axis=1, keepdims=True))
        x = x * jnp.minimum(1.0, 1.5 / (nrm + 1e-7))
        row = lax.broadcasted_iota(jnp.int32, (r, 1), 0)
        x = jnp.where((row % _LP) < _L, x, 0.0)
        p = p_ref[...]
        pn = jnp.sqrt(jnp.sum(p * p, axis=1, keepdims=True))
        p = p * jnp.minimum(1.0, 1.5 / (pn + 1e-7))
        p_t = jnp.concatenate([p] * bb, axis=0)
        hidden = jnp.concatenate([x, p_t], axis=1)

        xb = x.astype(jnp.bfloat16)
        pb = p.astype(jnp.bfloat16)

        prow = lax.broadcasted_iota(jnp.int32, (_LP, 1), 0)

        def _xp_dot(w_ref, bias):
            px = jnp.dot(pb, w_ref[_HID:, :],
                         preferred_element_type=jnp.float32) + bias
            px = jnp.where(prow < _L, px, 0.0)
            return (jnp.dot(xb, w_ref[:_HID, :],
                            preferred_element_type=jnp.float32)
                    + jnp.concatenate([px] * bb, axis=0))

        ein = _xp_dot(win_ref, bin_ref[...])
        eout = _xp_dot(wout_ref, bout_ref[...])
        for s in range(bb):
            sl = pl.ds(s * _LP, _LP)
            a_s = a_ref[s]
            scr[sl, 0:_DIM] = jnp.dot(
                a_s[:, :_LP], ein[s * _LP:(s + 1) * _LP].astype(jnp.bfloat16),
                preferred_element_type=jnp.float32) + biah_ref[...]
            scr[sl, _DIM:2 * _DIM] = jnp.dot(
                a_s[:, _L:_L + _LP],
                eout[s * _LP:(s + 1) * _LP].astype(jnp.bfloat16),
                preferred_element_type=jnp.float32) + boah_ref[...]
        gi = jnp.dot(scr[...].astype(jnp.bfloat16), wih_ref[...],
                     preferred_element_type=jnp.float32) + bih_ref[...]
        gh = _xp_dot(whh_ref, bhh_ref[...])
        rg = jax.nn.sigmoid(gi[:, :_DIM] + gh[:, :_DIM])
        ig = jax.nn.sigmoid(gi[:, _DIM:2 * _DIM] + gh[:, _DIM:2 * _DIM])
        ng = jnp.tanh(gi[:, 2 * _DIM:] + rg * gh[:, 2 * _DIM:])
        hnew = ng + ig * (hidden - ng)
        for s in range(bb):
            out_ref[:, s, :] = hnew[s * _LP:s * _LP + _L, :]

    return pl.pallas_call(
        body,
        grid=(n_sessions // bb,),
        in_specs=[
            pl.BlockSpec((r, _HID), lambda i: (i, 0)),
            pl.BlockSpec((_LP, _HID), lambda i: (0, 0)),
            pl.BlockSpec((bb, _LP, 2 * _LP), lambda i: (i, 0, 0)),
            pl.BlockSpec((_DIM, _DIM), lambda i: (0, 0)),
            pl.BlockSpec((_DIM, _DIM), lambda i: (0, 0)),
            pl.BlockSpec((2 * _DIM, 3 * _DIM), lambda i: (0, 0)),
            pl.BlockSpec((_DIM, 3 * _DIM), lambda i: (0, 0)),
            pl.BlockSpec((1, _DIM), lambda i: (0, 0)),
            pl.BlockSpec((1, _DIM), lambda i: (0, 0)),
            pl.BlockSpec((1, 3 * _DIM), lambda i: (0, 0)),
            pl.BlockSpec((1, 3 * _DIM), lambda i: (0, 0)),
            pl.BlockSpec((1, _DIM), lambda i: (0, 0)),
            pl.BlockSpec((1, _DIM), lambda i: (0, 0)),
        ],
        out_specs=pl.BlockSpec((_L, bb, _DIM), lambda i: (0, i, 0)),
        out_shape=jax.ShapeDtypeStruct((_L, n_sessions, _DIM), jnp.float32),
        scratch_shapes=[pltpu.VMEM((r, 2 * _DIM), jnp.float32)],
        compiler_params=pltpu.CompilerParams(
            dimension_semantics=("parallel",),
            allow_input_fusion=[False, False, True] + [False] * 10),
    )(h_pad, pos_p, a_pad, win_t, wout_t, wih_t, whh_t,
      b_in, b_out, b_ih, b_hh, b_iah, b_oah)


def kernel(items, A, emb, pos, W_in, b_in, W_out, b_out,
           w_ih, w_hh, b_ih, b_hh, b_iah, b_oah):
    n_sessions, seq_len = items.shape
    pad = _LP - _L
    idx2d = jnp.pad(items.astype(jnp.int32), ((0, 0), (0, pad)), mode="wrap")
    h_pad = _sc_gather(idx2d, emb)
    bf = jnp.bfloat16
    a_pad = jnp.pad(A.astype(bf), ((0, 0), (0, pad), (0, 2 * pad)))
    pos_p = pos[:_LP]

    bb = 16
    out = _tc_gnn(
        h_pad, pos_p, a_pad,
        W_in.T.astype(bf), W_out.T.astype(bf),
        w_ih.T.astype(bf), w_hh.T.astype(bf),
        b_in.reshape(1, -1), b_out.reshape(1, -1),
        b_ih.reshape(1, -1), b_hh.reshape(1, -1),
        b_iah.reshape(1, -1), b_oah.reshape(1, -1), bb)
    return jnp.transpose(out, (1, 0, 2))

# --- scband reference (transcript-rebuilt; emitter-appended) ---
"""Pipeline reference for scband-session-graph-36077725286634 (READ-ONLY COPY).

The authoritative reference and input builder live on the scoring server;
editing this copy changes nothing except your own understanding.
"""

import jax, jax.numpy as jnp
import numpy as np

N_NODE = 50000
HID = 128
DIM = 2 * HID
B = 512
L = 50
STEP = 1


def _renorm(rows, max_norm=1.5):
    # emulate torch nn.Embedding(max_norm=1.5) renorm at lookup time
    n = jnp.linalg.norm(rows, axis=-1, keepdims=True)
    scale = jnp.minimum(1.0, max_norm / (n + 1e-7))
    return rows * scale


def setup_inputs(seed: int = 0) -> dict:
    key = jax.random.key(seed)
    ks = jax.random.split(key, 16)
    items = jax.random.randint(ks[0], (B, L), 0, N_NODE)
    A = jax.random.uniform(ks[1], (B, L, 2 * L), dtype=jnp.float32)
    emb = jax.random.normal(ks[2], (N_NODE, HID), dtype=jnp.float32) * 0.1
    emb = emb.at[0].set(0.0)  # padding_idx=0
    pos = jax.random.normal(ks[3], (300, HID), dtype=jnp.float32) * 0.1
    pos = pos.at[0].set(0.0)  # padding_idx=0
    s = 1.0 / np.sqrt(DIM)
    W_in = jax.random.uniform(ks[4], (DIM, DIM), minval=-s, maxval=s, dtype=jnp.float32)
    b_in = jax.random.uniform(ks[5], (DIM,), minval=-s, maxval=s, dtype=jnp.float32)
    W_out = jax.random.uniform(ks[6], (DIM, DIM), minval=-s, maxval=s, dtype=jnp.float32)
    b_out = jax.random.uniform(ks[7], (DIM,), minval=-s, maxval=s, dtype=jnp.float32)
    w_ih = jax.random.uniform(ks[8], (3 * DIM, 2 * DIM), minval=-s, maxval=s, dtype=jnp.float32)
    w_hh = jax.random.uniform(ks[9], (3 * DIM, DIM), minval=-s, maxval=s, dtype=jnp.float32)
    b_ih = jax.random.uniform(ks[10], (3 * DIM,), minval=-s, maxval=s, dtype=jnp.float32)
    b_hh = jax.random.uniform(ks[11], (3 * DIM,), minval=-s, maxval=s, dtype=jnp.float32)
    b_iah = jax.random.uniform(ks[12], (DIM,), minval=-s, maxval=s, dtype=jnp.float32)
    b_oah = jax.random.uniform(ks[13], (DIM,), minval=-s, maxval=s, dtype=jnp.float32)
    return {"items": items, "A": A, "emb": emb, "pos": pos,
            "W_in": W_in, "b_in": b_in, "W_out": W_out, "b_out": b_out,
            "w_ih": w_ih, "w_hh": w_hh, "b_ih": b_ih, "b_hh": b_hh,
            "b_iah": b_iah, "b_oah": b_oah}


def reference(items, A, emb, pos, W_in, b_in, W_out, b_out,
              w_ih, w_hh, b_ih, b_hh, b_iah, b_oah):
    # embedding lookup with max_norm renorm (SparseCore gather)
    h_item = _renorm(jnp.take(emb, items, axis=0))            # (B, L, HID)
    p = _renorm(jnp.take(pos, jnp.arange(L), axis=0))         # (L, HID)
    p = jnp.broadcast_to(p[None, :, :], (items.shape[0], L, HID))
    hidden = jnp.concatenate([h_item, p], axis=-1)            # (B, L, DIM)
    for _ in range(STEP):
        ein = hidden @ W_in.T + b_in
        eout = hidden @ W_out.T + b_out
        input_in = jnp.matmul(A[:, :, :L], ein) + b_iah
        input_out = jnp.matmul(A[:, :, L:2 * L], eout) + b_oah
        inputs = jnp.concatenate([input_in, input_out], axis=2)  # (B, L, 2*DIM)
        gi = inputs @ w_ih.T + b_ih
        gh = hidden @ w_hh.T + b_hh
        i_r, i_i, i_n = jnp.split(gi, 3, axis=2)
        h_r, h_i, h_n = jnp.split(gh, 3, axis=2)
        resetgate = jax.nn.sigmoid(i_r + h_r)
        inputgate = jax.nn.sigmoid(i_i + h_i)
        newgate = jnp.tanh(i_n + resetgate * h_n)
        hidden = newgate + inputgate * (hidden - newgate)
    return hidden

if __name__ == "__main__":
    import jax
    _d = setup_inputs()
    print(jax.jit(kernel)(*tuple(_d.values())))

</pallas_src>

<mosaic_0001>
#map = affine_map<(d0, d1) -> (0, 0)>
module attributes {stable_mosaic.version = 14 : i64} {
  func.func @gather_kernel(%arg0: i32, %arg1: i32, %arg2: memref<256x112xi32, #tpu.memory_space<hbm>>, %arg3: memref<50000x128xf32, #tpu.memory_space<hbm>>, %arg4: memref<28672x128xf32, #tpu.memory_space<hbm>>, %arg5: memref<8x112xi32, #tpu.memory_space<vmem>>, %arg6: memref<896x128xf32, #tpu.memory_space<vmem>>, %arg7: memref<!tpu.dma_semaphore, #tpu.memory_space<semaphore_mem>>, %arg8: memref<!tpu.dma_semaphore, #tpu.memory_space<semaphore_mem>>) attributes {dimension_semantics = [#tpu.dimension_semantics<core_parallel>, #tpu.dimension_semantics<subcore_parallel>], iteration_bounds = array<i64: 2, 16>, scalar_prefetch = 0 : i64, scratch_operands = 4 : i64, tpu.core_type = #tpu.core_type<sc_vector_subcore>, window_params = [{transform_indices = #map}, {transform_indices = #map}, {transform_indices = #map}]} {
    %mul3A = arith.constant 2 : i32
    %mul3A_0 = arith.muli %arg1, %mul3A : i32
    %add3A = arith.addi %mul3A_0, %arg0 : i32
    %mul3A_1 = arith.constant 8 : i32
    %mul3A_2 = arith.muli %add3A, %mul3A_1 : i32
    "tpu.region"() ({
      %run_scoped3A = tpu.sem_alloc : memref<!tpu.dma_semaphore, #tpu.memory_space<semaphore_mem>>
      %dma_start3A_353 = arith.constant 0 : i32
      %dma_start3A_354 = tpu.memref_slice %arg2[%mul3A_2, %dma_start3A_353] : memref<256x112xi32, #tpu.memory_space<hbm>> -> memref<8x112xi32, #tpu.memory_space<hbm>>
      %dma_start3A_355 = arith.constant 0 : i32
      %dma_start3A_356 = tpu.memref_slice %arg2[%mul3A_2, %dma_start3A_355] : memref<256x112xi32, #tpu.memory_space<hbm>> -> memref<8x112xi32, #tpu.memory_space<hbm>>
      tpu.enqueue_dma source(%dma_start3A_356 : memref<8x112xi32, #tpu.memory_space<hbm>>) target(%arg5 : memref<8x112xi32, #tpu.memory_space<vmem>>) target_semaphore(%run_scoped3A : memref<!tpu.dma_semaphore, #tpu.memory_space<semaphore_mem>>)
      %dma_wait3A_357 = arith.constant 0 : i32
      %dma_wait3A_358 = tpu.memref_slice %arg2[%mul3A_2, %dma_wait3A_357] : memref<256x112xi32, #tpu.memory_space<hbm>> -> memref<8x112xi32, #tpu.memory_space<hbm>>
      %dma_wait3A_359 = arith.constant 0 : i32
      %dma_wait3A_360 = tpu.memref_slice %arg2[%mul3A_2, %dma_wait3A_359] : memref<256x112xi32, #tpu.memory_space<hbm>> -> memref<8x112xi32, #tpu.memory_space<hbm>>
      tpu.wait_dma2 semaphore(%run_scoped3A : memref<!tpu.dma_semaphore, #tpu.memory_space<semaphore_mem>>) src(%dma_wait3A_360 : memref<8x112xi32, #tpu.memory_space<hbm>>) dst(%arg5 : memref<8x112xi32, #tpu.memory_space<vmem>>)
      tpu.yield
    }) : () -> ()
    %dma_start3A = arith.constant 0 : i32
    %dma_start3A_3 = arith.constant 0 : i32
    %dma_start3A_4 = arith.constant 0 : i32
    %dma_start3A_5 = tpu.memref_slice %arg6[%dma_start3A_3, %dma_start3A_4] : memref<896x128xf32, #tpu.memory_space<vmem>> -> memref<112x128xf32, #tpu.memory_space<vmem>>
    %dma_start3A_6 = arith.constant 0 : i32
    %dma_start3A_7 = tpu.memref_slice %arg5[%dma_start3A, %dma_start3A_6] : memref<8x112xi32, #tpu.memory_space<vmem>> -> memref<1x112xi32, #tpu.memory_space<vmem>>
    %dma_start3A_8 = tpu.memref_squeeze %dma_start3A_7 : memref<1x112xi32, #tpu.memory_space<vmem>> -> memref<112xi32, #tpu.memory_space<vmem>>
    %dma_start3A_9 = arith.constant 0 : i32
    %dma_start3A_10 = arith.constant 0 : i32
    %dma_start3A_11 = tpu.memref_slice %arg3[%dma_start3A_9, %dma_start3A_10] : memref<50000x128xf32, #tpu.memory_space<hbm>> -> memref<50000x128xf32, #tpu.memory_space<hbm>>
    tpu.enqueue_indirect_dma source(%dma_start3A_11 : memref<50000x128xf32, #tpu.memory_space<hbm>>) target(%dma_start3A_5 : memref<112x128xf32, #tpu.memory_space<vmem>>) offsets(%dma_start3A_8 : memref<112xi32, #tpu.memory_space<vmem>>) semaphore(%arg7 : memref<!tpu.dma_semaphore, #tpu.memory_space<semaphore_mem>>)
    %dma_start3A_12 = arith.constant 1 : i32
    %dma_start3A_13 = arith.constant 112 : i32
    %dma_start3A_14 = arith.constant 0 : i32
    %dma_start3A_15 = tpu.memref_slice %arg6[%dma_start3A_13, %dma_start3A_14] : memref<896x128xf32, #tpu.memory_space<vmem>> -> memref<112x128xf32, #tpu.memory_space<vmem>>
    %dma_start3A_16 = arith.constant 0 : i32
    %dma_start3A_17 = tpu.memref_slice %arg5[%dma_start3A_12, %dma_start3A_16] : memref<8x112xi32, #tpu.memory_space<vmem>> -> memref<1x112xi32, #tpu.memory_space<vmem>>
    %dma_start3A_18 = tpu.memref_squeeze %dma_start3A_17 : memref<1x112xi32, #tpu.memory_space<vmem>> -> memref<112xi32, #tpu.memory_space<vmem>>
    %dma_start3A_19 = arith.constant 0 : i32
    %dma_start3A_20 = arith.constant 0 : i32
    %dma_start3A_21 = tpu.memref_slice %arg3[%dma_start3A_19, %dma_start3A_20] : memref<50000x128xf32, #tpu.memory_space<hbm>> -> memref<50000x128xf32, #tpu.memory_space<hbm>>
    tpu.enqueue_indirect_dma source(%dma_start3A_21 : memref<50000x128xf32, #tpu.memory_space<hbm>>) target(%dma_start3A_15 : memref<112x128xf32, #tpu.memory_space<vmem>>) offsets(%dma_start3A_18 : memref<112xi32, #tpu.memory_space<vmem>>) semaphore(%arg7 : memref<!tpu.dma_semaphore, #tpu.memory_space<semaphore_mem>>)
    %dma_start3A_22 = arith.constant 2 : i32
    %dma_start3A_23 = arith.constant 224 : i32
    %dma_start3A_24 = arith.constant 0 : i32
    %dma_start3A_25 = tpu.memref_slice %arg6[%dma_start3A_23, %dma_start3A_24] : memref<896x128xf32, #tpu.memory_space<vmem>> -> memref<112x128xf32, #tpu.memory_space<vmem>>
    %dma_start3A_26 = arith.constant 0 : i32
    %dma_start3A_27 = tpu.memref_slice %arg5[%dma_start3A_22, %dma_start3A_26] : memref<8x112xi32, #tpu.memory_space<vmem>> -> memref<1x112xi32, #tpu.memory_space<vmem>>
    %dma_start3A_28 = tpu.memref_squeeze %dma_start3A_27 : memref<1x112xi32, #tpu.memory_space<vmem>> -> memref<112xi32, #tpu.memory_space<vmem>>
    %dma_start3A_29 = arith.constant 0 : i32
    %dma_start3A_30 = arith.constant 0 : i32
    %dma_start3A_31 = tpu.memref_slice %arg3[%dma_start3A_29, %dma_start3A_30] : memref<50000x128xf32, #tpu.memory_space<hbm>> -> memref<50000x128xf32, #tpu.memory_space<hbm>>
    tpu.enqueue_indirect_dma source(%dma_start3A_31 : memref<50000x128xf32, #tpu.memory_space<hbm>>) target(%dma_start3A_25 : memref<112x128xf32, #tpu.memory_space<vmem>>) offsets(%dma_start3A_28 : memref<112xi32, #tpu.memory_space<vmem>>) semaphore(%arg7 : memref<!tpu.dma_semaphore, #tpu.memory_space<semaphore_mem>>)
    %dma_start3A_32 = arith.constant 3 : i32
    %dma_start3A_33 = arith.constant 336 : i32
    %dma_start3A_34 = arith.constant 0 : i32
    %dma_start3A_35 = tpu.memref_slice %arg6[%dma_start3A_33, %dma_start3A_34] : memref<896x128xf32, #tpu.memory_space<vmem>> -> memref<112x128xf32, #tpu.memory_space<vmem>>
    %dma_start3A_36 = arith.constant 0 : i32
    %dma_start3A_37 = tpu.memref_slice %arg5[%dma_start3A_32, %dma_start3A_36] : memref<8x112xi32, #tpu.memory_space<vmem>> -> memref<1x112xi32, #tpu.memory_space<vmem>>
    %dma_start3A_38 = tpu.memref_squeeze %dma_start3A_37 : memref<1x112xi32, #tpu.memory_space<vmem>> -> memref<112xi32, #tpu.memory_space<vmem>>
    %dma_start3A_39 = arith.constant 0 : i32
    %dma_start3A_40 = arith.constant 0 : i32
    %dma_start3A_41 = tpu.memref_slice %arg3[%dma_start3A_39, %dma_start3A_40] : memref<50000x128xf32, #tpu.memory_space<hbm>> -> memref<50000x128xf32, #tpu.memory_space<hbm>>
    tpu.enqueue_indirect_dma source(%dma_start3A_41 : memref<50000x128xf32, #tpu.memory_space<hbm>>) target(%dma_start3A_35 : memref<112x128xf32, #tpu.memory_space<vmem>>) offsets(%dma_start3A_38 : memref<112xi32, #tpu.memory_space<vmem>>) semaphore(%arg7 : memref<!tpu.dma_semaphore, #tpu.memory_space<semaphore_mem>>)
    %dma_start3A_42 = arith.constant 4 : i32
    %dma_start3A_43 = arith.constant 448 : i32
    %dma_start3A_44 = arith.constant 0 : i32
    %dma_start3A_45 = tpu.memref_slice %arg6[%dma_start3A_43, %dma_start3A_44] : memref<896x128xf32, #tpu.memory_space<vmem>> -> memref<112x128xf32, #tpu.memory_space<vmem>>
    %dma_start3A_46 = arith.constant 0 : i32
    %dma_start3A_47 = tpu.memref_slice %arg5[%dma_start3A_42, %dma_start3A_46] : memref<8x112xi32, #tpu.memory_space<vmem>> -> memref<1x112xi32, #tpu.memory_space<vmem>>
    %dma_start3A_48 = tpu.memref_squeeze %dma_start3A_47 : memref<1x112xi32, #tpu.memory_space<vmem>> -> memref<112xi32, #tpu.memory_space<vmem>>
    %dma_start3A_49 = arith.constant 0 : i32
    %dma_start3A_50 = arith.constant 0 : i32
    %dma_start3A_51 = tpu.memref_slice %arg3[%dma_start3A_49, %dma_start3A_50] : memref<50000x128xf32, #tpu.memory_space<hbm>> -> memref<50000x128xf32, #tpu.memory_space<hbm>>
    tpu.enqueue_indirect_dma source(%dma_start3A_51 : memref<50000x128xf32, #tpu.memory_space<hbm>>) target(%dma_start3A_45 : memref<112x128xf32, #tpu.memory_space<vmem>>) offsets(%dma_start3A_48 : memref<112xi32, #tpu.memory_space<vmem>>) semaphore(%arg7 : memref<!tpu.dma_semaphore, #tpu.memory_space<semaphore_mem>>)
    %dma_start3A_52 = arith.constant 5 : i32
    %dma_start3A_53 = arith.constant 560 : i32
    %dma_start3A_54 = arith.constant 0 : i32
    %dma_start3A_55 = tpu.memref_slice %arg6[%dma_start3A_53, %dma_start3A_54] : memref<896x128xf32, #tpu.memory_space<vmem>> -> memref<112x128xf32, #tpu.memory_space<vmem>>
    %dma_start3A_56 = arith.constant 0 : i32
    %dma_start3A_57 = tpu.memref_slice %arg5[%dma_start3A_52, %dma_start3A_56] : memref<8x112xi32, #tpu.memory_space<vmem>> -> memref<1x112xi32, #tpu.memory_space<vmem>>
    %dma_start3A_58 = tpu.memref_squeeze %dma_start3A_57 : memref<1x112xi32, #tpu.memory_space<vmem>> -> memref<112xi32, #tpu.memory_space<vmem>>
    %dma_start3A_59 = arith.constant 0 : i32
    %dma_start3A_60 = arith.constant 0 : i32
    %dma_start3A_61 = tpu.memref_slice %arg3[%dma_start3A_59, %dma_start3A_60] : memref<50000x128xf32, #tpu.memory_space<hbm>> -> memref<50000x128xf32, #tpu.memory_space<hbm>>
    tpu.enqueue_indirect_dma source(%dma_start3A_61 : memref<50000x128xf32, #tpu.memory_space<hbm>>) target(%dma_start3A_55 : memref<112x128xf32, #tpu.memory_space<vmem>>) offsets(%dma_start3A_58 : memref<112xi32, #tpu.memory_space<vmem>>) semaphore(%arg7 : memref<!tpu.dma_semaphore, #tpu.memory_space<semaphore_mem>>)
    %dma_start3A_62 = arith.constant 6 : i32
    %dma_start3A_63 = arith.constant 672 : i32
    %dma_start3A_64 = arith.constant 0 : i32
    %dma_start3A_65 = tpu.memref_slice %arg6[%dma_start3A_63, %dma_start3A_64] : memref<896x128xf32, #tpu.memory_space<vmem>> -> memref<112x128xf32, #tpu.memory_space<vmem>>
    %dma_start3A_66 = arith.constant 0 : i32
    %dma_start3A_67 = tpu.memref_slice %arg5[%dma_start3A_62, %dma_start3A_66] : memref<8x112xi32, #tpu.memory_space<vmem>> -> memref<1x112xi32, #tpu.memory_space<vmem>>
    %dma_start3A_68 = tpu.memref_squeeze %dma_start3A_67 : memref<1x112xi32, #tpu.memory_space<vmem>> -> memref<112xi32, #tpu.memory_space<vmem>>
    %dma_start3A_69 = arith.constant 0 : i32
    %dma_start3A_70 = arith.constant 0 : i32
    %dma_start3A_71 = tpu.memref_slice %arg3[%dma_start3A_69, %dma_start3A_70] : memref<50000x128xf32, #tpu.memory_space<hbm>> -> memref<50000x128xf32, #tpu.memory_space<hbm>>
    tpu.enqueue_indirect_dma source(%dma_start3A_71 : memref<50000x128xf32, #tpu.memory_space<hbm>>) target(%dma_start3A_65 : memref<112x128xf32, #tpu.memory_space<vmem>>) offsets(%dma_start3A_68 : memref<112xi32, #tpu.memory_space<vmem>>) semaphore(%arg7 : memref<!tpu.dma_semaphore, #tpu.memory_space<semaphore_mem>>)
    %dma_start3A_72 = arith.constant 7 : i32
    %dma_start3A_73 = arith.constant 784 : i32
    %dma_start3A_74 = arith.constant 0 : i32
    %dma_start3A_75 = tpu.memref_slice %arg6[%dma_start3A_73, %dma_start3A_74] : memref<896x128xf32, #tpu.memory_space<vmem>> -> memref<112x128xf32, #tpu.memory_space<vmem>>
    %dma_start3A_76 = arith.constant 0 : i32
    %dma_start3A_77 = tpu.memref_slice %arg5[%dma_start3A_72, %dma_start3A_76] : memref<8x112xi32, #tpu.memory_space<vmem>> -> memref<1x112xi32, #tpu.memory_space<vmem>>
    %dma_start3A_78 = tpu.memref_squeeze %dma_start3A_77 : memref<1x112xi32, #tpu.memory_space<vmem>> -> memref<112xi32, #tpu.memory_space<vmem>>
    %dma_start3A_79 = arith.constant 0 : i32
    %dma_start3A_80 = arith.constant 0 : i32
    %dma_start3A_81 = tpu.memref_slice %arg3[%dma_start3A_79, %dma_start3A_80] : memref<50000x128xf32, #tpu.memory_space<hbm>> -> memref<50000x128xf32, #tpu.memory_space<hbm>>
    tpu.enqueue_indirect_dma source(%dma_start3A_81 : memref<50000x128xf32, #tpu.memory_space<hbm>>) target(%dma_start3A_75 : memref<112x128xf32, #tpu.memory_space<vmem>>) offsets(%dma_start3A_78 : memref<112xi32, #tpu.memory_space<vmem>>) semaphore(%arg7 : memref<!tpu.dma_semaphore, #tpu.memory_space<semaphore_mem>>)
    %dma_wait3A = arith.constant 0 : i32
    %dma_wait3A_82 = arith.constant 0 : i32
    %dma_wait3A_83 = arith.constant 0 : i32
    %dma_wait3A_84 = tpu.memref_slice %arg6[%dma_wait3A_82, %dma_wait3A_83] : memref<896x128xf32, #tpu.memory_space<vmem>> -> memref<112x128xf32, #tpu.memory_space<vmem>>
    %dma_wait3A_85 = arith.constant 0 : i32
    %dma_wait3A_86 = tpu.memref_slice %arg5[%dma_wait3A, %dma_wait3A_85] : memref<8x112xi32, #tpu.memory_space<vmem>> -> memref<1x112xi32, #tpu.memory_space<vmem>>
    %dma_wait3A_87 = tpu.memref_squeeze %dma_wait3A_86 : memref<1x112xi32, #tpu.memory_space<vmem>> -> memref<112xi32, #tpu.memory_space<vmem>>
    %dma_wait3A_88 = arith.constant 0 : i32
    %dma_wait3A_89 = arith.constant 0 : i32
    %dma_wait3A_90 = tpu.memref_slice %arg3[%dma_wait3A_88, %dma_wait3A_89] : memref<50000x128xf32, #tpu.memory_space<hbm>> -> memref<50000x128xf32, #tpu.memory_space<hbm>>
    tpu.wait_indirect_dma semaphore(%arg7 : memref<!tpu.dma_semaphore, #tpu.memory_space<semaphore_mem>>) src(%dma_wait3A_90 : memref<50000x128xf32, #tpu.memory_space<hbm>>) dst(%dma_wait3A_84 : memref<112x128xf32, #tpu.memory_space<vmem>>)
    %mul3A_91 = arith.constant 896 : i32
    %mul3A_92 = arith.muli %add3A, %mul3A_91 : i32
    %add3A_93 = arith.constant 0 : i32
    %add3A_94 = arith.addi %mul3A_92, %add3A_93 : i32
    %dma_start3A_95 = arith.constant 0 : i32
    %dma_start3A_96 = arith.constant 0 : i32
    %dma_start3A_97 = tpu.memref_slice %arg6[%dma_start3A_95, %dma_start3A_96] : memref<896x128xf32, #tpu.memory_space<vmem>> -> memref<112x128xf32, #tpu.memory_space<vmem>>
    %dma_start3A_98 = arith.constant 0 : i32
    %dma_start3A_99 = tpu.memref_slice %arg4[%add3A_94, %dma_start3A_98] : memref<28672x128xf32, #tpu.memory_space<hbm>> -> memref<112x128xf32, #tpu.memory_space<hbm>>
    %dma_start3A_100 = arith.constant 0 : i32
    %dma_start3A_101 = tpu.memref_slice %arg4[%add3A_94, %dma_start3A_100] : memref<28672x128xf32, #tpu.memory_space<hbm>> -> memref<112x128xf32, #tpu.memory_space<hbm>>
    %dma_start3A_102 = arith.constant 0 : i32
    %dma_start3A_103 = arith.constant 0 : i32
    %dma_start3A_104 = tpu.memref_slice %arg6[%dma_start3A_102, %dma_start3A_103] : memref<896x128xf32, #tpu.memory_space<vmem>> -> memref<112x128xf32, #tpu.memory_space<vmem>>
    tpu.enqueue_dma source(%dma_start3A_104 : memref<112x128xf32, #tpu.memory_space<vmem>>) target(%dma_start3A_101 : memref<112x128xf32, #tpu.memory_space<hbm>>) target_semaphore(%arg8 : memref<!tpu.dma_semaphore, #tpu.memory_space<semaphore_mem>>)
    %dma_wait3A_105 = arith.constant 1 : i32
    %dma_wait3A_106 = arith.constant 112 : i32
    %dma_wait3A_107 = arith.constant 0 : i32
    %dma_wait3A_108 = tpu.memref_slice %arg6[%dma_wait3A_106, %dma_wait3A_107] : memref<896x128xf32, #tpu.memory_space<vmem>> -> memref<112x128xf32, #tpu.memory_space<vmem>>
    %dma_wait3A_109 = arith.constant 0 : i32
    %dma_wait3A_110 = tpu.memref_slice %arg5[%dma_wait3A_105, %dma_wait3A_109] : memref<8x112xi32, #tpu.memory_space<vmem>> -> memref<1x112xi32, #tpu.memory_space<vmem>>
    %dma_wait3A_111 = tpu.memref_squeeze %dma_wait3A_110 : memref<1x112xi32, #tpu.memory_space<vmem>> -> memref<112xi32, #tpu.memory_space<vmem>>
    %dma_wait3A_112 = arith.constant 0 : i32
    %dma_wait3A_113 = arith.constant 0 : i32
    %dma_wait3A_114 = tpu.memref_slice %arg3[%dma_wait3A_112, %dma_wait3A_113] : memref<50000x128xf32, #tpu.memory_space<hbm>> -> memref<50000x128xf32, #tpu.memory_space<hbm>>
    tpu.wait_indirect_dma semaphore(%arg7 : memref<!tpu.dma_semaphore, #tpu.memory_space<semaphore_mem>>) src(%dma_wait3A_114 : memref<50000x128xf32, #tpu.memory_space<hbm>>) dst(%dma_wait3A_108 : memref<112x128xf32, #tpu.memory_space<vmem>>)
    %mul3A_115 = arith.constant 896 : i32
    %mul3A_116 = arith.muli %add3A, %mul3A_115 : i32
    %add3A_117 = arith.constant 112 : i32
    %add3A_118 = arith.addi %mul3A_116, %add3A_117 : i32
    %dma_start3A_119 = arith.constant 112 : i32
    %dma_start3A_120 = arith.constant 0 : i32
    %dma_start3A_121 = tpu.memref_slice %arg6[%dma_start3A_119, %dma_start3A_120] : memref<896x128xf32, #tpu.memory_space<vmem>> -> memref<112x128xf32, #tpu.memory_space<vmem>>
    %dma_start3A_122 = arith.constant 0 : i32
    %dma_start3A_123 = tpu.memref_slice %arg4[%add3A_118, %dma_start3A_122] : memref<28672x128xf32, #tpu.memory_space<hbm>> -> memref<112x128xf32, #tpu.memory_space<hbm>>
    %dma_start3A_124 = arith.constant 0 : i32
    %dma_start3A_125 = tpu.memref_slice %arg4[%add3A_118, %dma_start3A_124] : memref<28672x128xf32, #tpu.memory_space<hbm>> -> memref<112x128xf32, #tpu.memory_space<hbm>>
    %dma_start3A_126 = arith.constant 112 : i32
    %dma_start3A_127 = arith.constant 0 : i32
    %dma_start3A_128 = tpu.memref_slice %arg6[%dma_start3A_126, %dma_start3A_127] : memref<896x128xf32, #tpu.memory_space<vmem>> -> memref<112x128xf32, #tpu.memory_space<vmem>>
    tpu.enqueue_dma source(%dma_start3A_128 : memref<112x128xf32, #tpu.memory_space<vmem>>) target(%dma_start3A_125 : memref<112x128xf32, #tpu.memory_space<hbm>>) target_semaphore(%arg8 : memref<!tpu.dma_semaphore, #tpu.memory_space<semaphore_mem>>)
    %dma_wait3A_129 = arith.constant 2 : i32
    %dma_wait3A_130 = arith.constant 224 : i32
    %dma_wait3A_131 = arith.constant 0 : i32
    %dma_wait3A_132 = tpu.memref_slice %arg6[%dma_wait3A_130, %dma_wait3A_131] : memref<896x128xf32, #tpu.memory_space<vmem>> -> memref<112x128xf32, #tpu.memory_space<vmem>>
    %dma_wait3A_133 = arith.constant 0 : i32
    %dma_wait3A_134 = tpu.memref_slice %arg5[%dma_wait3A_129, %dma_wait3A_133] : memref<8x112xi32, #tpu.memory_space<vmem>> -> memref<1x112xi32, #tpu.memory_space<vmem>>
    %dma_wait3A_135 = tpu.memref_squeeze %dma_wait3A_134 : memref<1x112xi32, #tpu.memory_space<vmem>> -> memref<112xi32, #tpu.memory_space<vmem>>
    %dma_wait3A_136 = arith.constant 0 : i32
    %dma_wait3A_137 = arith.constant 0 : i32
    %dma_wait3A_138 = tpu.memref_slice %arg3[%dma_wait3A_136, %dma_wait3A_137] : memref<50000x128xf32, #tpu.memory_space<hbm>> -> memref<50000x128xf32, #tpu.memory_space<hbm>>
    tpu.wait_indirect_dma semaphore(%arg7 : memref<!tpu.dma_semaphore, #tpu.memory_space<semaphore_mem>>) src(%dma_wait3A_138 : memref<50000x128xf32, #tpu.memory_space<hbm>>) dst(%dma_wait3A_132 : memref<112x128xf32, #tpu.memory_space<vmem>>)
    %mul3A_139 = arith.constant 896 : i32
    %mul3A_140 = arith.muli %add3A, %mul3A_139 : i32
    %add3A_141 = arith.constant 224 : i32
    %add3A_142 = arith.addi %mul3A_140, %add3A_141 : i32
    %dma_start3A_143 = arith.constant 224 : i32
    %dma_start3A_144 = arith.constant 0 : i32
    %dma_start3A_145 = tpu.memref_slice %arg6[%dma_start3A_143, %dma_start3A_144] : memref<896x128xf32, #tpu.memory_space<vmem>> -> memref<112x128xf32, #tpu.memory_space<vmem>>
    %dma_start3A_146 = arith.constant 0 : i32
    %dma_start3A_147 = tpu.memref_slice %arg4[%add3A_142, %dma_start3A_146] : memref<28672x128xf32, #tpu.memory_space<hbm>> -> memref<112x128xf32, #tpu.memory_space<hbm>>
    %dma_start3A_148 = arith.constant 0 : i32
    %dma_start3A_149 = tpu.memref_slice %arg4[%add3A_142, %dma_start3A_148] : memref<28672x128xf32, #tpu.memory_space<hbm>> -> memref<112x128xf32, #tpu.memory_space<hbm>>
    %dma_start3A_150 = arith.constant 224 : i32
    %dma_start3A_151 = arith.constant 0 : i32
    %dma_start3A_152 = tpu.memref_slice %arg6[%dma_start3A_150, %dma_start3A_151] : memref<896x128xf32, #tpu.memory_space<vmem>> -> memref<112x128xf32, #tpu.memory_space<vmem>>
    tpu.enqueue_dma source(%dma_start3A_152 : memref<112x128xf32, #tpu.memory_space<vmem>>) target(%dma_start3A_149 : memref<112x128xf32, #tpu.memory_space<hbm>>) target_semaphore(%arg8 : memref<!tpu.dma_semaphore, #tpu.memory_space<semaphore_mem>>)
    %dma_wait3A_153 = arith.constant 3 : i32
    %dma_wait3A_154 = arith.constant 336 : i32
    %dma_wait3A_155 = arith.constant 0 : i32
    %dma_wait3A_156 = tpu.memref_slice %arg6[%dma_wait3A_154, %dma_wait3A_155] : memref<896x128xf32, #tpu.memory_space<vmem>> -> memref<112x128xf32, #tpu.memory_space<vmem>>
    %dma_wait3A_157 = arith.constant 0 : i32
    %dma_wait3A_158 = tpu.memref_slice %arg5[%dma_wait3A_153, %dma_wait3A_157] : memref<8x112xi32, #tpu.memory_space<vmem>> -> memref<1x112xi32, #tpu.memory_space<vmem>>
    %dma_wait3A_159 = tpu.memref_squeeze %dma_wait3A_158 : memref<1x112xi32, #tpu.memory_space<vmem>> -> memref<112xi32, #tpu.memory_space<vmem>>
    %dma_wait3A_160 = arith.constant 0 : i32
    %dma_wait3A_161 = arith.constant 0 : i32
    %dma_wait3A_162 = tpu.memref_slice %arg3[%dma_wait3A_160, %dma_wait3A_161] : memref<50000x128xf32, #tpu.memory_space<hbm>> -> memref<50000x128xf32, #tpu.memory_space<hbm>>
    tpu.wait_indirect_dma semaphore(%arg7 : memref<!tpu.dma_semaphore, #tpu.memory_space<semaphore_mem>>) src(%dma_wait3A_162 : memref<50000x128xf32, #tpu.memory_space<hbm>>) dst(%dma_wait3A_156 : memref<112x128xf32, #tpu.memory_space<vmem>>)
    %mul3A_163 = arith.constant 896 : i32
    %mul3A_164 = arith.muli %add3A, %mul3A_163 : i32
    %add3A_165 = arith.constant 336 : i32
    %add3A_166 = arith.addi %mul3A_164, %add3A_165 : i32
    %dma_start3A_167 = arith.constant 336 : i32
    %dma_start3A_168 = arith.constant 0 : i32
    %dma_start3A_169 = tpu.memref_slice %arg6[%dma_start3A_167, %dma_start3A_168] : memref<896x128xf32, #tpu.memory_space<vmem>> -> memref<112x128xf32, #tpu.memory_space<vmem>>
    %dma_start3A_170 = arith.constant 0 : i32
    %dma_start3A_171 = tpu.memref_slice %arg4[%add3A_166, %dma_start3A_170] : memref<28672x128xf32, #tpu.memory_space<hbm>> -> memref<112x128xf32, #tpu.memory_space<hbm>>
    %dma_start3A_172 = arith.constant 0 : i32
    %dma_start3A_173 = tpu.memref_slice %arg4[%add3A_166, %dma_start3A_172] : memref<28672x128xf32, #tpu.memory_space<hbm>> -> memref<112x128xf32, #tpu.memory_space<hbm>>
    %dma_start3A_174 = arith.constant 336 : i32
    %dma_start3A_175 = arith.constant 0 : i32
    %dma_start3A_176 = tpu.memref_slice %arg6[%dma_start3A_174, %dma_start3A_175] : memref<896x128xf32, #tpu.memory_space<vmem>> -> memref<112x128xf32, #tpu.memory_space<vmem>>
    tpu.enqueue_dma source(%dma_start3A_176 : memref<112x128xf32, #tpu.memory_space<vmem>>) target(%dma_start3A_173 : memref<112x128xf32, #tpu.memory_space<hbm>>) target_semaphore(%arg8 : memref<!tpu.dma_semaphore, #tpu.memory_space<semaphore_mem>>)
    %dma_wait3A_177 = arith.constant 4 : i32
    %dma_wait3A_178 = arith.constant 448 : i32
    %dma_wait3A_179 = arith.constant 0 : i32
    %dma_wait3A_180 = tpu.memref_slice %arg6[%dma_wait3A_178, %dma_wait3A_179] : memref<896x128xf32, #tpu.memory_space<vmem>> -> memref<112x128xf32, #tpu.memory_space<vmem>>
    %dma_wait3A_181 = arith.constant 0 : i32
    %dma_wait3A_182 = tpu.memref_slice %arg5[%dma_wait3A_177, %dma_wait3A_181] : memref<8x112xi32, #tpu.memory_space<vmem>> -> memref<1x112xi32, #tpu.memory_space<vmem>>
    %dma_wait3A_183 = tpu.memref_squeeze %dma_wait3A_182 : memref<1x112xi32, #tpu.memory_space<vmem>> -> memref<112xi32, #tpu.memory_space<vmem>>
    %dma_wait3A_184 = arith.constant 0 : i32
    %dma_wait3A_185 = arith.constant 0 : i32
    %dma_wait3A_186 = tpu.memref_slice %arg3[%dma_wait3A_184, %dma_wait3A_185] : memref<50000x128xf32, #tpu.memory_space<hbm>> -> memref<50000x128xf32, #tpu.memory_space<hbm>>
    tpu.wait_indirect_dma semaphore(%arg7 : memref<!tpu.dma_semaphore, #tpu.memory_space<semaphore_mem>>) src(%dma_wait3A_186 : memref<50000x128xf32, #tpu.memory_space<hbm>>) dst(%dma_wait3A_180 : memref<112x128xf32, #tpu.memory_space<vmem>>)
    %mul3A_187 = arith.constant 896 : i32
    %mul3A_188 = arith.muli %add3A, %mul3A_187 : i32
    %add3A_189 = arith.constant 448 : i32
    %add3A_190 = arith.addi %mul3A_188, %add3A_189 : i32
    %dma_start3A_191 = arith.constant 448 : i32
    %dma_start3A_192 = arith.constant 0 : i32
    %dma_start3A_193 = tpu.memref_slice %arg6[%dma_start3A_191, %dma_start3A_192] : memref<896x128xf32, #tpu.memory_space<vmem>> -> memref<112x128xf32, #tpu.memory_space<vmem>>
    %dma_start3A_194 = arith.constant 0 : i32
    %dma_start3A_195 = tpu.memref_slice %arg4[%add3A_190, %dma_start3A_194] : memref<28672x128xf32, #tpu.memory_space<hbm>> -> memref<112x128xf32, #tpu.memory_space<hbm>>
    %dma_start3A_196 = arith.constant 0 : i32
    %dma_start3A_197 = tpu.memref_slice %arg4[%add3A_190, %dma_start3A_196] : memref<28672x128xf32, #tpu.memory_space<hbm>> -> memref<112x128xf32, #tpu.memory_space<hbm>>
    %dma_start3A_198 = arith.constant 448 : i32
    %dma_start3A_199 = arith.constant 0 : i32
    %dma_start3A_200 = tpu.memref_slice %arg6[%dma_start3A_198, %dma_start3A_199] : memref<896x128xf32, #tpu.memory_space<vmem>> -> memref<112x128xf32, #tpu.memory_space<vmem>>
    tpu.enqueue_dma source(%dma_start3A_200 : memref<112x128xf32, #tpu.memory_space<vmem>>) target(%dma_start3A_197 : memref<112x128xf32, #tpu.memory_space<hbm>>) target_semaphore(%arg8 : memref<!tpu.dma_semaphore, #tpu.memory_space<semaphore_mem>>)
    %dma_wait3A_201 = arith.constant 5 : i32
    %dma_wait3A_202 = arith.constant 560 : i32
    %dma_wait3A_203 = arith.constant 0 : i32
    %dma_wait3A_204 = tpu.memref_slice %arg6[%dma_wait3A_202, %dma_wait3A_203] : memref<896x128xf32, #tpu.memory_space<vmem>> -> memref<112x128xf32, #tpu.memory_space<vmem>>
    %dma_wait3A_205 = arith.constant 0 : i32
    %dma_wait3A_206 = tpu.memref_slice %arg5[%dma_wait3A_201, %dma_wait3A_205] : memref<8x112xi32, #tpu.memory_space<vmem>> -> memref<1x112xi32, #tpu.memory_space<vmem>>
    %dma_wait3A_207 = tpu.memref_squeeze %dma_wait3A_206 : memref<1x112xi32, #tpu.memory_space<vmem>> -> memref<112xi32, #tpu.memory_space<vmem>>
    %dma_wait3A_208 = arith.constant 0 : i32
    %dma_wait3A_209 = arith.constant 0 : i32
    %dma_wait3A_210 = tpu.memref_slice %arg3[%dma_wait3A_208, %dma_wait3A_209] : memref<50000x128xf32, #tpu.memory_space<hbm>> -> memref<50000x128xf32, #tpu.memory_space<hbm>>
    tpu.wait_indirect_dma semaphore(%arg7 : memref<!tpu.dma_semaphore, #tpu.memory_space<semaphore_mem>>) src(%dma_wait3A_210 : memref<50000x128xf32, #tpu.memory_space<hbm>>) dst(%dma_wait3A_204 : memref<112x128xf32, #tpu.memory_space<vmem>>)
    %mul3A_211 = arith.constant 896 : i32
    %mul3A_212 = arith.muli %add3A, %mul3A_211 : i32
    %add3A_213 = arith.constant 560 : i32
    %add3A_214 = arith.addi %mul3A_212, %add3A_213 : i32
    %dma_start3A_215 = arith.constant 560 : i32
    %dma_start3A_216 = arith.constant 0 : i32
    %dma_start3A_217 = tpu.memref_slice %arg6[%dma_start3A_215, %dma_start3A_216] : memref<896x128xf32, #tpu.memory_space<vmem>> -> memref<112x128xf32, #tpu.memory_space<vmem>>
    %dma_start3A_218 = arith.constant 0 : i32
    %dma_start3A_219 = tpu.memref_slice %arg4[%add3A_214, %dma_start3A_218] : memref<28672x128xf32, #tpu.memory_space<hbm>> -> memref<112x128xf32, #tpu.memory_space<hbm>>
    %dma_start3A_220 = arith.constant 0 : i32
    %dma_start3A_221 = tpu.memref_slice %arg4[%add3A_214, %dma_start3A_220] : memref<28672x128xf32, #tpu.memory_space<hbm>> -> memref<112x128xf32, #tpu.memory_space<hbm>>
    %dma_start3A_222 = arith.constant 560 : i32
    %dma_start3A_223 = arith.constant 0 : i32
    %dma_start3A_224 = tpu.memref_slice %arg6[%dma_start3A_222, %dma_start3A_223] : memref<896x128xf32, #tpu.memory_space<vmem>> -> memref<112x128xf32, #tpu.memory_space<vmem>>
    tpu.enqueue_dma source(%dma_start3A_224 : memref<112x128xf32, #tpu.memory_space<vmem>>) target(%dma_start3A_221 : memref<112x128xf32, #tpu.memory_space<hbm>>) target_semaphore(%arg8 : memref<!tpu.dma_semaphore, #tpu.memory_space<semaphore_mem>>)
    %dma_wait3A_225 = arith.constant 6 : i32
    %dma_wait3A_226 = arith.constant 672 : i32
    %dma_wait3A_227 = arith.constant 0 : i32
    %dma_wait3A_228 = tpu.memref_slice %arg6[%dma_wait3A_226, %dma_wait3A_227] : memref<896x128xf32, #tpu.memory_space<vmem>> -> memref<112x128xf32, #tpu.memory_space<vmem>>
    %dma_wait3A_229 = arith.constant 0 : i32
    %dma_wait3A_230 = tpu.memref_slice %arg5[%dma_wait3A_225, %dma_wait3A_229] : memref<8x112xi32, #tpu.memory_space<vmem>> -> memref<1x112xi32, #tpu.memory_space<vmem>>
    %dma_wait3A_231 = tpu.memref_squeeze %dma_wait3A_230 : memref<1x112xi32, #tpu.memory_space<vmem>> -> memref<112xi32, #tpu.memory_space<vmem>>
    %dma_wait3A_232 = arith.constant 0 : i32
    %dma_wait3A_233 = arith.constant 0 : i32
    %dma_wait3A_234 = tpu.memref_slice %arg3[%dma_wait3A_232, %dma_wait3A_233] : memref<50000x128xf32, #tpu.memory_space<hbm>> -> memref<50000x128xf32, #tpu.memory_space<hbm>>
    tpu.wait_indirect_dma semaphore(%arg7 : memref<!tpu.dma_semaphore, #tpu.memory_space<semaphore_mem>>) src(%dma_wait3A_234 : memref<50000x128xf32, #tpu.memory_space<hbm>>) dst(%dma_wait3A_228 : memref<112x128xf32, #tpu.memory_space<vmem>>)
    %mul3A_235 = arith.constant 896 : i32
    %mul3A_236 = arith.muli %add3A, %mul3A_235 : i32
    %add3A_237 = arith.constant 672 : i32
    %add3A_238 = arith.addi %mul3A_236, %add3A_237 : i32
    %dma_start3A_239 = arith.constant 672 : i32
    %dma_start3A_240 = arith.constant 0 : i32
    %dma_start3A_241 = tpu.memref_slice %arg6[%dma_start3A_239, %dma_start3A_240] : memref<896x128xf32, #tpu.memory_space<vmem>> -> memref<112x128xf32, #tpu.memory_space<vmem>>
    %dma_start3A_242 = arith.constant 0 : i32
    %dma_start3A_243 = tpu.memref_slice %arg4[%add3A_238, %dma_start3A_242] : memref<28672x128xf32, #tpu.memory_space<hbm>> -> memref<112x128xf32, #tpu.memory_space<hbm>>
    %dma_start3A_244 = arith.constant 0 : i32
    %dma_start3A_245 = tpu.memref_slice %arg4[%add3A_238, %dma_start3A_244] : memref<28672x128xf32, #tpu.memory_space<hbm>> -> memref<112x128xf32, #tpu.memory_space<hbm>>
    %dma_start3A_246 = arith.constant 672 : i32
    %dma_start3A_247 = arith.constant 0 : i32
    %dma_start3A_248 = tpu.memref_slice %arg6[%dma_start3A_246, %dma_start3A_247] : memref<896x128xf32, #tpu.memory_space<vmem>> -> memref<112x128xf32, #tpu.memory_space<vmem>>
    tpu.enqueue_dma source(%dma_start3A_248 : memref<112x128xf32, #tpu.memory_space<vmem>>) target(%dma_start3A_245 : memref<112x128xf32, #tpu.memory_space<hbm>>) target_semaphore(%arg8 : memref<!tpu.dma_semaphore, #tpu.memory_space<semaphore_mem>>)
    %dma_wait3A_249 = arith.constant 7 : i32
    %dma_wait3A_250 = arith.constant 784 : i32
    %dma_wait3A_251 = arith.constant 0 : i32
    %dma_wait3A_252 = tpu.memref_slice %arg6[%dma_wait3A_250, %dma_wait3A_251] : memref<896x128xf32, #tpu.memory_space<vmem>> -> memref<112x128xf32, #tpu.memory_space<vmem>>
    %dma_wait3A_253 = arith.constant 0 : i32
    %dma_wait3A_254 = tpu.memref_slice %arg5[%dma_wait3A_249, %dma_wait3A_253] : memref<8x112xi32, #tpu.memory_space<vmem>> -> memref<1x112xi32, #tpu.memory_space<vmem>>
    %dma_wait3A_255 = tpu.memref_squeeze %dma_wait3A_254 : memref<1x112xi32, #tpu.memory_space<vmem>> -> memref<112xi32, #tpu.memory_space<vmem>>
    %dma_wait3A_256 = arith.constant 0 : i32
    %dma_wait3A_257 = arith.constant 0 : i32
    %dma_wait3A_258 = tpu.memref_slice %arg3[%dma_wait3A_256, %dma_wait3A_257] : memref<50000x128xf32, #tpu.memory_space<hbm>> -> memref<50000x128xf32, #tpu.memory_space<hbm>>
    tpu.wait_indirect_dma semaphore(%arg7 : memref<!tpu.dma_semaphore, #tpu.memory_space<semaphore_mem>>) src(%dma_wait3A_258 : memref<50000x128xf32, #tpu.memory_space<hbm>>) dst(%dma_wait3A_252 : memref<112x128xf32, #tpu.memory_space<vmem>>)
    %mul3A_259 = arith.constant 896 : i32
    %mul3A_260 = arith.muli %add3A, %mul3A_259 : i32
    %add3A_261 = arith.constant 784 : i32
    %add3A_262 = arith.addi %mul3A_260, %add3A_261 : i32
    %dma_start3A_263 = arith.constant 784 : i32
    %dma_start3A_264 = arith.constant 0 : i32
    %dma_start3A_265 = tpu.memref_slice %arg6[%dma_start3A_263, %dma_start3A_264] : memref<896x128xf32, #tpu.memory_space<vmem>> -> memref<112x128xf32, #tpu.memory_space<vmem>>
    %dma_start3A_266 = arith.constant 0 : i32
    %dma_start3A_267 = tpu.memref_slice %arg4[%add3A_262, %dma_start3A_266] : memref<28672x128xf32, #tpu.memory_space<hbm>> -> memref<112x128xf32, #tpu.memory_space<hbm>>
    %dma_start3A_268 = arith.constant 0 : i32
    %dma_start3A_269 = tpu.memref_slice %arg4[%add3A_262, %dma_start3A_268] : memref<28672x128xf32, #tpu.memory_space<hbm>> -> memref<112x128xf32, #tpu.memory_space<hbm>>
    %dma_start3A_270 = arith.constant 784 : i32
    %dma_start3A_271 = arith.constant 0 : i32
    %dma_start3A_272 = tpu.memref_slice %arg6[%dma_start3A_270, %dma_start3A_271] : memref<896x128xf32, #tpu.memory_space<vmem>> -> memref<112x128xf32, #tpu.memory_space<vmem>>
    tpu.enqueue_dma source(%dma_start3A_272 : memref<112x128xf32, #tpu.memory_space<vmem>>) target(%dma_start3A_269 : memref<112x128xf32, #tpu.memory_space<hbm>>) target_semaphore(%arg8 : memref<!tpu.dma_semaphore, #tpu.memory_space<semaphore_mem>>)
    %dma_wait3A_273 = arith.constant 0 : i32
    %dma_wait3A_274 = arith.constant 0 : i32
    %dma_wait3A_275 = tpu.memref_slice %arg6[%dma_wait3A_273, %dma_wait3A_274] : memref<896x128xf32, #tpu.memory_space<vmem>> -> memref<112x128xf32, #tpu.memory_space<vmem>>
    %dma_wait3A_276 = arith.constant 0 : i32
    %dma_wait3A_277 = tpu.memref_slice %arg4[%add3A_94, %dma_wait3A_276] : memref<28672x128xf32, #tpu.memory_space<hbm>> -> memref<112x128xf32, #tpu.memory_space<hbm>>
    %dma_wait3A_278 = arith.constant 0 : i32
    %dma_wait3A_279 = tpu.memref_slice %arg4[%add3A_94, %dma_wait3A_278] : memref<28672x128xf32, #tpu.memory_space<hbm>> -> memref<112x128xf32, #tpu.memory_space<hbm>>
    %dma_wait3A_280 = arith.constant 0 : i32
    %dma_wait3A_281 = arith.constant 0 : i32
    %dma_wait3A_282 = tpu.memref_slice %arg6[%dma_wait3A_280, %dma_wait3A_281] : memref<896x128xf32, #tpu.memory_space<vmem>> -> memref<112x128xf32, #tpu.memory_space<vmem>>
    tpu.wait_dma2 semaphore(%arg8 : memref<!tpu.dma_semaphore, #tpu.memory_space<semaphore_mem>>) src(%dma_wait3A_282 : memref<112x128xf32, #tpu.memory_space<vmem>>) dst(%dma_wait3A_279 : memref<112x128xf32, #tpu.memory_space<hbm>>)
    %dma_wait3A_283 = arith.constant 112 : i32
    %dma_wait3A_284 = arith.constant 0 : i32
    %dma_wait3A_285 = tpu.memref_slice %arg6[%dma_wait3A_283, %dma_wait3A_284] : memref<896x128xf32, #tpu.memory_space<vmem>> -> memref<112x128xf32, #tpu.memory_space<vmem>>
    %dma_wait3A_286 = arith.constant 0 : i32
    %dma_wait3A_287 = tpu.memref_slice %arg4[%add3A_118, %dma_wait3A_286] : memref<28672x128xf32, #tpu.memory_space<hbm>> -> memref<112x128xf32, #tpu.memory_space<hbm>>
    %dma_wait3A_288 = arith.constant 0 : i32
    %dma_wait3A_289 = tpu.memref_slice %arg4[%add3A_118, %dma_wait3A_288] : memref<28672x128xf32, #tpu.memory_space<hbm>> -> memref<112x128xf32, #tpu.memory_space<hbm>>
    %dma_wait3A_290 = arith.constant 112 : i32
    %dma_wait3A_291 = arith.constant 0 : i32
    %dma_wait3A_292 = tpu.memref_slice %arg6[%dma_wait3A_290, %dma_wait3A_291] : memref<896x128xf32, #tpu.memory_space<vmem>> -> memref<112x128xf32, #tpu.memory_space<vmem>>
    tpu.wait_dma2 semaphore(%arg8 : memref<!tpu.dma_semaphore, #tpu.memory_space<semaphore_mem>>) src(%dma_wait3A_292 : memref<112x128xf32, #tpu.memory_space<vmem>>) dst(%dma_wait3A_289 : memref<112x128xf32, #tpu.memory_space<hbm>>)
    %dma_wait3A_293 = arith.constant 224 : i32
    %dma_wait3A_294 = arith.constant 0 : i32
    %dma_wait3A_295 = tpu.memref_slice %arg6[%dma_wait3A_293, %dma_wait3A_294] : memref<896x128xf32, #tpu.memory_space<vmem>> -> memref<112x128xf32, #tpu.memory_space<vmem>>
    %dma_wait3A_296 = arith.constant 0 : i32
    %dma_wait3A_297 = tpu.memref_slice %arg4[%add3A_142, %dma_wait3A_296] : memref<28672x128xf32, #tpu.memory_space<hbm>> -> memref<112x128xf32, #tpu.memory_space<hbm>>
    %dma_wait3A_298 = arith.constant 0 : i32
    %dma_wait3A_299 = tpu.memref_slice %arg4[%add3A_142, %dma_wait3A_298] : memref<28672x128xf32, #tpu.memory_space<hbm>> -> memref<112x128xf32, #tpu.memory_space<hbm>>
    %dma_wait3A_300 = arith.constant 224 : i32
    %dma_wait3A_301 = arith.constant 0 : i32
    %dma_wait3A_302 = tpu.memref_slice %arg6[%dma_wait3A_300, %dma_wait3A_301] : memref<896x128xf32, #tpu.memory_space<vmem>> -> memref<112x128xf32, #tpu.memory_space<vmem>>
    tpu.wait_dma2 semaphore(%arg8 : memref<!tpu.dma_semaphore, #tpu.memory_space<semaphore_mem>>) src(%dma_wait3A_302 : memref<112x128xf32, #tpu.memory_space<vmem>>) dst(%dma_wait3A_299 : memref<112x128xf32, #tpu.memory_space<hbm>>)
    %dma_wait3A_303 = arith.constant 336 : i32
    %dma_wait3A_304 = arith.constant 0 : i32
    %dma_wait3A_305 = tpu.memref_slice %arg6[%dma_wait3A_303, %dma_wait3A_304] : memref<896x128xf32, #tpu.memory_space<vmem>> -> memref<112x128xf32, #tpu.memory_space<vmem>>
    %dma_wait3A_306 = arith.constant 0 : i32
    %dma_wait3A_307 = tpu.memref_slice %arg4[%add3A_166, %dma_wait3A_306] : memref<28672x128xf32, #tpu.memory_space<hbm>> -> memref<112x128xf32, #tpu.memory_space<hbm>>
    %dma_wait3A_308 = arith.constant 0 : i32
    %dma_wait3A_309 = tpu.memref_slice %arg4[%add3A_166, %dma_wait3A_308] : memref<28672x128xf32, #tpu.memory_space<hbm>> -> memref<112x128xf32, #tpu.memory_space<hbm>>
    %dma_wait3A_310 = arith.constant 336 : i32
    %dma_wait3A_311 = arith.constant 0 : i32
    %dma_wait3A_312 = tpu.memref_slice %arg6[%dma_wait3A_310, %dma_wait3A_311] : memref<896x128xf32, #tpu.memory_space<vmem>> -> memref<112x128xf32, #tpu.memory_space<vmem>>
    tpu.wait_dma2 semaphore(%arg8 : memref<!tpu.dma_semaphore, #tpu.memory_space<semaphore_mem>>) src(%dma_wait3A_312 : memref<112x128xf32, #tpu.memory_space<vmem>>) dst(%dma_wait3A_309 : memref<112x128xf32, #tpu.memory_space<hbm>>)
    %dma_wait3A_313 = arith.constant 448 : i32
    %dma_wait3A_314 = arith.constant 0 : i32
    %dma_wait3A_315 = tpu.memref_slice %arg6[%dma_wait3A_313, %dma_wait3A_314] : memref<896x128xf32, #tpu.memory_space<vmem>> -> memref<112x128xf32, #tpu.memory_space<vmem>>
    %dma_wait3A_316 = arith.constant 0 : i32
    %dma_wait3A_317 = tpu.memref_slice %arg4[%add3A_190, %dma_wait3A_316] : memref<28672x128xf32, #tpu.memory_space<hbm>> -> memref<112x128xf32, #tpu.memory_space<hbm>>
    %dma_wait3A_318 = arith.constant 0 : i32
    %dma_wait3A_319 = tpu.memref_slice %arg4[%add3A_190, %dma_wait3A_318] : memref<28672x128xf32, #tpu.memory_space<hbm>> -> memref<112x128xf32, #tpu.memory_space<hbm>>
    %dma_wait3A_320 = arith.constant 448 : i32
    %dma_wait3A_321 = arith.constant 0 : i32
    %dma_wait3A_322 = tpu.memref_slice %arg6[%dma_wait3A_320, %dma_wait3A_321] : memref<896x128xf32, #tpu.memory_space<vmem>> -> memref<112x128xf32, #tpu.memory_space<vmem>>
    tpu.wait_dma2 semaphore(%arg8 : memref<!tpu.dma_semaphore, #tpu.memory_space<semaphore_mem>>) src(%dma_wait3A_322 : memref<112x128xf32, #tpu.memory_space<vmem>>) dst(%dma_wait3A_319 : memref<112x128xf32, #tpu.memory_space<hbm>>)
    %dma_wait3A_323 = arith.constant 560 : i32
    %dma_wait3A_324 = arith.constant 0 : i32
    %dma_wait3A_325 = tpu.memref_slice %arg6[%dma_wait3A_323, %dma_wait3A_324] : memref<896x128xf32, #tpu.memory_space<vmem>> -> memref<112x128xf32, #tpu.memory_space<vmem>>
    %dma_wait3A_326 = arith.constant 0 : i32
    %dma_wait3A_327 = tpu.memref_slice %arg4[%add3A_214, %dma_wait3A_326] : memref<28672x128xf32, #tpu.memory_space<hbm>> -> memref<112x128xf32, #tpu.memory_space<hbm>>
    %dma_wait3A_328 = arith.constant 0 : i32
    %dma_wait3A_329 = tpu.memref_slice %arg4[%add3A_214, %dma_wait3A_328] : memref<28672x128xf32, #tpu.memory_space<hbm>> -> memref<112x128xf32, #tpu.memory_space<hbm>>
    %dma_wait3A_330 = arith.constant 560 : i32
    %dma_wait3A_331 = arith.constant 0 : i32
    %dma_wait3A_332 = tpu.memref_slice %arg6[%dma_wait3A_330, %dma_wait3A_331] : memref<896x128xf32, #tpu.memory_space<vmem>> -> memref<112x128xf32, #tpu.memory_space<vmem>>
    tpu.wait_dma2 semaphore(%arg8 : memref<!tpu.dma_semaphore, #tpu.memory_space<semaphore_mem>>) src(%dma_wait3A_332 : memref<112x128xf32, #tpu.memory_space<vmem>>) dst(%dma_wait3A_329 : memref<112x128xf32, #tpu.memory_space<hbm>>)
    %dma_wait3A_333 = arith.constant 672 : i32
    %dma_wait3A_334 = arith.constant 0 : i32
    %dma_wait3A_335 = tpu.memref_slice %arg6[%dma_wait3A_333, %dma_wait3A_334] : memref<896x128xf32, #tpu.memory_space<vmem>> -> memref<112x128xf32, #tpu.memory_space<vmem>>
    %dma_wait3A_336 = arith.constant 0 : i32
    %dma_wait3A_337 = tpu.memref_slice %arg4[%add3A_238, %dma_wait3A_336] : memref<28672x128xf32, #tpu.memory_space<hbm>> -> memref<112x128xf32, #tpu.memory_space<hbm>>
    %dma_wait3A_338 = arith.constant 0 : i32
    %dma_wait3A_339 = tpu.memref_slice %arg4[%add3A_238, %dma_wait3A_338] : memref<28672x128xf32, #tpu.memory_space<hbm>> -> memref<112x128xf32, #tpu.memory_space<hbm>>
    %dma_wait3A_340 = arith.constant 672 : i32
    %dma_wait3A_341 = arith.constant 0 : i32
    %dma_wait3A_342 = tpu.memref_slice %arg6[%dma_wait3A_340, %dma_wait3A_341] : memref<896x128xf32, #tpu.memory_space<vmem>> -> memref<112x128xf32, #tpu.memory_space<vmem>>
    tpu.wait_dma2 semaphore(%arg8 : memref<!tpu.dma_semaphore, #tpu.memory_space<semaphore_mem>>) src(%dma_wait3A_342 : memref<112x128xf32, #tpu.memory_space<vmem>>) dst(%dma_wait3A_339 : memref<112x128xf32, #tpu.memory_space<hbm>>)
    %dma_wait3A_343 = arith.constant 784 : i32
    %dma_wait3A_344 = arith.constant 0 : i32
    %dma_wait3A_345 = tpu.memref_slice %arg6[%dma_wait3A_343, %dma_wait3A_344] : memref<896x128xf32, #tpu.memory_space<vmem>> -> memref<112x128xf32, #tpu.memory_space<vmem>>
    %dma_wait3A_346 = arith.constant 0 : i32
    %dma_wait3A_347 = tpu.memref_slice %arg4[%add3A_262, %dma_wait3A_346] : memref<28672x128xf32, #tpu.memory_space<hbm>> -> memref<112x128xf32, #tpu.memory_space<hbm>>
    %dma_wait3A_348 = arith.constant 0 : i32
    %dma_wait3A_349 = tpu.memref_slice %arg4[%add3A_262, %dma_wait3A_348] : memref<28672x128xf32, #tpu.memory_space<hbm>> -> memref<112x128xf32, #tpu.memory_space<hbm>>
    %dma_wait3A_350 = arith.constant 784 : i32
    %dma_wait3A_351 = arith.constant 0 : i32
    %dma_wait3A_352 = tpu.memref_slice %arg6[%dma_wait3A_350, %dma_wait3A_351] : memref<896x128xf32, #tpu.memory_space<vmem>> -> memref<112x128xf32, #tpu.memory_space<vmem>>
    tpu.wait_dma2 semaphore(%arg8 : memref<!tpu.dma_semaphore, #tpu.memory_space<semaphore_mem>>) src(%dma_wait3A_352 : memref<112x128xf32, #tpu.memory_space<vmem>>) dst(%dma_wait3A_349 : memref<112x128xf32, #tpu.memory_space<hbm>>)
    return
  }
}

module attributes {stable_mosaic.version = 14 : i64} {
  func.func @body(%arg0: i32, %arg1: memref<896x128xf32, #tpu.memory_space<vmem>>, %arg2: memref<56x128xf32, #tpu.memory_space<vmem>>, %arg3: memref<16x56x112xbf16, #tpu.memory_space<vmem>>, %arg4: memref<256x256xbf16, #tpu.memory_space<vmem>>, %arg5: memref<256x256xbf16, #tpu.memory_space<vmem>>, %arg6: memref<512x768xbf16, #tpu.memory_space<vmem>>, %arg7: memref<256x768xbf16, #tpu.memory_space<vmem>>, %arg8: memref<1x256xf32, #tpu.memory_space<vmem>>, %arg9: memref<1x256xf32, #tpu.memory_space<vmem>>, %arg10: memref<1x768xf32, #tpu.memory_space<vmem>>, %arg11: memref<1x768xf32, #tpu.memory_space<vmem>>, %arg12: memref<1x256xf32, #tpu.memory_space<vmem>>, %arg13: memref<1x256xf32, #tpu.memory_space<vmem>>, %arg14: memref<50x16x256xf32, #tpu.memory_space<vmem>>, %arg15: memref<896x512xf32, #tpu.memory_space<vmem>>) attributes {dimension_semantics = [#tpu.dimension_semantics<parallel>], iteration_bounds = array<i64: 32>, scalar_prefetch = 0 : i64, scratch_operands = 1 : i64, tpu.core_type = #tpu.core_type<tc>, window_params = [{transform_indices = @transform_0, window_bounds = array<i64: 896, 128>}, {pipeline_mode = #tpu.pipeline_mode<synchronous>, transform_indices = @transform_1, window_bounds = array<i64: 56, 128>}, {transform_indices = @transform_2, window_bounds = array<i64: 16, 56, 112>}, {pipeline_mode = #tpu.pipeline_mode<synchronous>, transform_indices = @transform_3, window_bounds = array<i64: 256, 256>}, {pipeline_mode = #tpu.pipeline_mode<synchronous>, transform_indices = @transform_4, window_bounds = array<i64: 256, 256>}, {pipeline_mode = #tpu.pipeline_mode<synchronous>, transform_indices = @transform_5, window_bounds = array<i64: 512, 768>}, {pipeline_mode = #tpu.pipeline_mode<synchronous>, transform_indices = @transform_6, window_bounds = array<i64: 256, 768>}, {pipeline_mode = #tpu.pipeline_mode<synchronous>, transform_indices = @transform_7, window_bounds = array<i64: 1, 256>}, {pipeline_mode = #tpu.pipeline_mode<synchronous>, transform_indices = @transform_8, window_bounds = array<i64: 1, 256>}, {pipeline_mode = #tpu.pipeline_mode<synchronous>, transform_indices = @transform_9, window_bounds = array<i64: 1, 768>}, {pipeline_mode = #tpu.pipeline_mode<synchronous>, transform_indices = @transform_10, window_bounds = array<i64: 1, 768>}, {pipeline_mode = #tpu.pipeline_mode<synchronous>, transform_indices = @transform_11, window_bounds = array<i64: 1, 256>}, {pipeline_mode = #tpu.pipeline_mode<synchronous>, transform_indices = @transform_12, window_bounds = array<i64: 1, 256>}, {transform_indices = @transform_13, window_bounds = array<i64: 50, 16, 256>}]} {
    %get3A = arith.constant 0 : index
    %get3A_0 = arith.constant 0 : index
    %get3A_1 = vector.load %arg1[%get3A, %get3A_0] : memref<896x128xf32, #tpu.memory_space<vmem>>, vector<896x128xf32>
    %mul3A = arith.mulf %get3A_1, %get3A_1 : vector<896x128xf32>
    %reduce_sum3A = arith.constant dense<0.000000e+00> : vector<896xf32>
    %reduce_sum3A_2 = vector.multi_reduction <add>, %mul3A, %reduce_sum3A [1] : vector<896x128xf32> to vector<896xf32>
    %broadcast_in_dim3A = vector.shape_cast %reduce_sum3A_2 : vector<896xf32> to vector<896x1xf32>
    %sqrt3A = math.sqrt %broadcast_in_dim3A : vector<896x1xf32>
    %add3A = arith.constant 1.000000e-07 : f32
    %add3A_3 = vector.broadcast %add3A : f32 to vector<896x1xf32>
    %add3A_4 = arith.addf %sqrt3A, %add3A_3 : vector<896x1xf32>
    %div3A = arith.constant 1.500000e+00 : f32
    %div3A_5 = vector.broadcast %div3A : f32 to vector<896x1xf32>
    %div3A_6 = arith.divf %div3A_5, %add3A_4 : vector<896x1xf32>
    %min3A = arith.constant 1.000000e+00 : f32
    %min3A_7 = vector.broadcast %min3A : f32 to vector<896x1xf32>
    %min3A_8 = arith.minimumf %min3A_7, %div3A_6 : vector<896x1xf32>
    %mul3A_9 = vector.broadcast %min3A_8 : vector<896x1xf32> to vector<896x128xf32>
    %mul3A_10 = arith.mulf %get3A_1, %mul3A_9 : vector<896x128xf32>
    %iota3A = tpu.iota {dimensions = array<i32: 0>} : vector<896x1xi32>
    %jit3A = arith.constant 56 : i32
    %eq3A = arith.constant 0 : i32
    %eq3A_11 = arith.cmpi eq, %jit3A, %eq3A : i32
    %jit3A_12 = arith.constant 1 : i32
    %select_n3A = arith.select %eq3A_11, %jit3A_12, %jit3A : i32
    %rem3A = vector.broadcast %select_n3A : i32 to vector<896x1xi32>
    %rem3A_13 = arith.remsi %iota3A, %rem3A : vector<896x1xi32>
    %ne3A = arith.constant 0 : i32
    %ne3A_14 = vector.broadcast %ne3A : i32 to vector<896x1xi32>
    %ne3A_15 = arith.cmpi ne, %rem3A_13, %ne3A_14 : vector<896x1xi32>
    %lt3A = arith.constant 0 : i32
    %lt3A_16 = vector.broadcast %lt3A : i32 to vector<896x1xi32>
    %lt3A_17 = arith.cmpi slt, %rem3A_13, %lt3A_16 : vector<896x1xi32>
    %lt3A_18 = arith.constant 0 : i32
    %lt3A_19 = arith.cmpi slt, %select_n3A, %lt3A_18 : i32
    %ne3A_20 = vector.broadcast %lt3A_19 : i1 to vector<896x1xi1>
    %ne3A_21 = vector.broadcast %ne3A_20 : vector<896x1xi1> to vector<896x1xi1>
    %ne3A_22 = arith.xori %lt3A_17, %ne3A_21 : vector<896x1xi1>
    %and3A = arith.andi %ne3A_22, %ne3A_15 : vector<896x1xi1>
    %add3A_23 = vector.broadcast %select_n3A : i32 to vector<896x1xi32>
    %add3A_24 = arith.addi %rem3A_13, %add3A_23 : vector<896x1xi32>
    %select_n3A_25 = arith.select %and3A, %add3A_24, %rem3A_13 : vector<896x1xi1>, vector<896x1xi32>
    %lt3A_26 = arith.constant 50 : i32
    %lt3A_27 = vector.broadcast %lt3A_26 : i32 to vector<896x1xi32>
    %lt3A_28 = arith.cmpi slt, %select_n3A_25, %lt3A_27 : vector<896x1xi32>
    %jit3A_29 = arith.constant 0.000000e+00 : f32
    %broadcast_in_dim3A_30 = vector.shape_cast %lt3A_28 : vector<896x1xi1> to vector<896x1xi1>
    %broadcast_in_dim3A_31 = vector.broadcast %broadcast_in_dim3A_30 : vector<896x1xi1> to vector<896x128xi1>
    %broadcast_in_dim3A_32 = vector.broadcast %jit3A_29 : f32 to vector<896x128xf32>
    %select_n3A_33 = arith.select %broadcast_in_dim3A_31, %mul3A_10, %broadcast_in_dim3A_32 : vector<896x128xi1>, vector<896x128xf32>
    %get3A_34 = arith.constant 0 : index
    %get3A_35 = arith.constant 0 : index
    %get3A_36 = vector.load %arg2[%get3A_34, %get3A_35] : memref<56x128xf32, #tpu.memory_space<vmem>>, vector<56x128xf32>
    %mul3A_37 = arith.mulf %get3A_36, %get3A_36 : vector<56x128xf32>
    %reduce_sum3A_38 = arith.constant dense<0.000000e+00> : vector<56xf32>
    %reduce_sum3A_39 = vector.multi_reduction <add>, %mul3A_37, %reduce_sum3A_38 [1] : vector<56x128xf32> to vector<56xf32>
    %broadcast_in_dim3A_40 = vector.shape_cast %reduce_sum3A_39 : vector<56xf32> to vector<56x1xf32>
    %sqrt3A_41 = math.sqrt %broadcast_in_dim3A_40 : vector<56x1xf32>
    %add3A_42 = arith.constant 1.000000e-07 : f32
    %add3A_43 = vector.broadcast %add3A_42 : f32 to vector<56x1xf32>
    %add3A_44 = arith.addf %sqrt3A_41, %add3A_43 : vector<56x1xf32>
    %div3A_45 = arith.constant 1.500000e+00 : f32
    %div3A_46 = vector.broadcast %div3A_45 : f32 to vector<56x1xf32>
    %div3A_47 = arith.divf %div3A_46, %add3A_44 : vector<56x1xf32>
    %min3A_48 = arith.constant 1.000000e+00 : f32
    %min3A_49 = vector.broadcast %min3A_48 : f32 to vector<56x1xf32>
    %min3A_50 = arith.minimumf %min3A_49, %div3A_47 : vector<56x1xf32>
    %mul3A_51 = vector.broadcast %min3A_50 : vector<56x1xf32> to vector<56x128xf32>
    %mul3A_52 = arith.mulf %get3A_36, %mul3A_51 : vector<56x128xf32>
    %concatenate3A = tpu.concatenate %mul3A_52, %mul3A_52, %mul3A_52, %mul3A_52, %mul3A_52, %mul3A_52, %mul3A_52, %mul3A_52, %mul3A_52, %mul3A_52, %mul3A_52, %mul3A_52, %mul3A_52, %mul3A_52, %mul3A_52, %mul3A_52 in 0 : vector<56x128xf32>, vector<56x128xf32>, vector<56x128xf32>, vector<56x128xf32>, vector<56x128xf32>, vector<56x128xf32>, vector<56x128xf32>, vector<56x128xf32>, vector<56x128xf32>, vector<56x128xf32>, vector<56x128xf32>, vector<56x128xf32>, vector<56x128xf32>, vector<56x128xf32>, vector<56x128xf32>, vector<56x128xf32> -> vector<896x128xf32>
    %concatenate3A_53 = tpu.concatenate %select_n3A_33, %concatenate3A in 1 : vector<896x128xf32>, vector<896x128xf32> -> vector<896x256xf32>
    %convert_element_type3A = arith.truncf %select_n3A_33 : vector<896x128xf32> to vector<896x128xbf16>
    %convert_element_type3A_54 = arith.truncf %mul3A_52 : vector<56x128xf32> to vector<56x128xbf16>
    %iota3A_55 = tpu.iota {dimensions = array<i32: 0>} : vector<56x1xi32>
    %get3A_56 = arith.constant 0 : index
    %get3A_57 = arith.constant 0 : index
    %get3A_58 = vector.load %arg8[%get3A_56, %get3A_57] : memref<1x256xf32, #tpu.memory_space<vmem>>, vector<1x256xf32>
    %get3A_59 = arith.constant 128 : index
    %get3A_60 = arith.constant 0 : index
    %get3A_61 = vector.load %arg4[%get3A_59, %get3A_60] : memref<256x256xbf16, #tpu.memory_space<vmem>>, vector<128x256xbf16>
    %dot_general3A = arith.constant dense<0.000000e+00> : vector<56x256xf32>
    %dot_general3A_62 = tpu.matmul %convert_element_type3A_54, %get3A_61, %dot_general3A {dimension_numbers = #tpu.dot_dimension_numbers<[1], [0], [0], [1], [0, 0, 1, 1], [], []>, transpose_lhs_hint = false} : vector<56x128xbf16>, vector<128x256xbf16>, vector<56x256xf32> -> vector<56x256xf32>
    %add3A_63 = vector.broadcast %get3A_58 : vector<1x256xf32> to vector<56x256xf32>
    %add3A_64 = arith.addf %dot_general3A_62, %add3A_63 : vector<56x256xf32>
    %lt3A_65 = arith.constant 50 : i32
    %lt3A_66 = vector.broadcast %lt3A_65 : i32 to vector<56x1xi32>
    %lt3A_67 = arith.cmpi slt, %iota3A_55, %lt3A_66 : vector<56x1xi32>
    %jit3A_68 = arith.constant 0.000000e+00 : f32
    %broadcast_in_dim3A_69 = vector.shape_cast %lt3A_67 : vector<56x1xi1> to vector<56x1xi1>
    %broadcast_in_dim3A_70 = vector.broadcast %broadcast_in_dim3A_69 : vector<56x1xi1> to vector<56x256xi1>
    %broadcast_in_dim3A_71 = vector.broadcast %jit3A_68 : f32 to vector<56x256xf32>
    %select_n3A_72 = arith.select %broadcast_in_dim3A_70, %add3A_64, %broadcast_in_dim3A_71 : vector<56x256xi1>, vector<56x256xf32>
    %get3A_73 = arith.constant 0 : index
    %get3A_74 = arith.constant 0 : index
    %get3A_75 = vector.load %arg4[%get3A_73, %get3A_74] : memref<256x256xbf16, #tpu.memory_space<vmem>>, vector<128x256xbf16>
    %dot_general3A_76 = arith.constant dense<0.000000e+00> : vector<896x256xf32>
    %dot_general3A_77 = tpu.matmul %convert_element_type3A, %get3A_75, %dot_general3A_76 {dimension_numbers = #tpu.dot_dimension_numbers<[1], [0], [0], [1], [0, 0, 1, 1], [], []>, transpose_lhs_hint = false} : vector<896x128xbf16>, vector<128x256xbf16>, vector<896x256xf32> -> vector<896x256xf32>
    %concatenate3A_78 = tpu.concatenate %select_n3A_72, %select_n3A_72, %select_n3A_72, %select_n3A_72, %select_n3A_72, %select_n3A_72, %select_n3A_72, %select_n3A_72, %select_n3A_72, %select_n3A_72, %select_n3A_72, %select_n3A_72, %select_n3A_72, %select_n3A_72, %select_n3A_72, %select_n3A_72 in 0 : vector<56x256xf32>, vector<56x256xf32>, vector<56x256xf32>, vector<56x256xf32>, vector<56x256xf32>, vector<56x256xf32>, vector<56x256xf32>, vector<56x256xf32>, vector<56x256xf32>, vector<56x256xf32>, vector<56x256xf32>, vector<56x256xf32>, vector<56x256xf32>, vector<56x256xf32>, vector<56x256xf32>, vector<56x256xf32> -> vector<896x256xf32>
    %add3A_79 = arith.addf %dot_general3A_77, %concatenate3A_78 : vector<896x256xf32>
    %get3A_80 = arith.constant 0 : index
    %get3A_81 = arith.constant 0 : index
    %get3A_82 = vector.load %arg9[%get3A_80, %get3A_81] : memref<1x256xf32, #tpu.memory_space<vmem>>, vector<1x256xf32>
    %get3A_83 = arith.constant 128 : index
    %get3A_84 = arith.constant 0 : index
    %get3A_85 = vector.load %arg5[%get3A_83, %get3A_84] : memref<256x256xbf16, #tpu.memory_space<vmem>>, vector<128x256xbf16>
    %dot_general3A_86 = arith.constant dense<0.000000e+00> : vector<56x256xf32>
    %dot_general3A_87 = tpu.matmul %convert_element_type3A_54, %get3A_85, %dot_general3A_86 {dimension_numbers = #tpu.dot_dimension_numbers<[1], [0], [0], [1], [0, 0, 1, 1], [], []>, transpose_lhs_hint = false} : vector<56x128xbf16>, vector<128x256xbf16>, vector<56x256xf32> -> vector<56x256xf32>
    %add3A_88 = vector.broadcast %get3A_82 : vector<1x256xf32> to vector<56x256xf32>
    %add3A_89 = arith.addf %dot_general3A_87, %add3A_88 : vector<56x256xf32>
    %lt3A_90 = arith.constant 50 : i32
    %lt3A_91 = vector.broadcast %lt3A_90 : i32 to vector<56x1xi32>
    %lt3A_92 = arith.cmpi slt, %iota3A_55, %lt3A_91 : vector<56x1xi32>
    %jit3A_93 = arith.constant 0.000000e+00 : f32
    %broadcast_in_dim3A_94 = vector.shape_cast %lt3A_92 : vector<56x1xi1> to vector<56x1xi1>
    %broadcast_in_dim3A_95 = vector.broadcast %broadcast_in_dim3A_94 : vector<56x1xi1> to vector<56x256xi1>
    %broadcast_in_dim3A_96 = vector.broadcast %jit3A_93 : f32 to vector<56x256xf32>
    %select_n3A_97 = arith.select %broadcast_in_dim3A_95, %add3A_89, %broadcast_in_dim3A_96 : vector<56x256xi1>, vector<56x256xf32>
    %get3A_98 = arith.constant 0 : index
    %get3A_99 = arith.constant 0 : index
    %get3A_100 = vector.load %arg5[%get3A_98, %get3A_99] : memref<256x256xbf16, #tpu.memory_space<vmem>>, vector<128x256xbf16>
    %dot_general3A_101 = arith.constant dense<0.000000e+00> : vector<896x256xf32>
    %dot_general3A_102 = tpu.matmul %convert_element_type3A, %get3A_100, %dot_general3A_101 {dimension_numbers = #tpu.dot_dimension_numbers<[1], [0], [0], [1], [0, 0, 1, 1], [], []>, transpose_lhs_hint = false} : vector<896x128xbf16>, vector<128x256xbf16>, vector<896x256xf32> -> vector<896x256xf32>
    %concatenate3A_103 = tpu.concatenate %select_n3A_97, %select_n3A_97, %select_n3A_97, %select_n3A_97, %select_n3A_97, %select_n3A_97, %select_n3A_97, %select_n3A_97, %select_n3A_97, %select_n3A_97, %select_n3A_97, %select_n3A_97, %select_n3A_97, %select_n3A_97, %select_n3A_97, %select_n3A_97 in 0 : vector<56x256xf32>, vector<56x256xf32>, vector<56x256xf32>, vector<56x256xf32>, vector<56x256xf32>, vector<56x256xf32>, vector<56x256xf32>, vector<56x256xf32>, vector<56x256xf32>, vector<56x256xf32>, vector<56x256xf32>, vector<56x256xf32>, vector<56x256xf32>, vector<56x256xf32>, vector<56x256xf32>, vector<56x256xf32> -> vector<896x256xf32>
    %add3A_104 = arith.addf %dot_general3A_102, %concatenate3A_103 : vector<896x256xf32>
    %get3A_105 = arith.constant 0 : index
    %get3A_106 = arith.constant 0 : index
    %get3A_107 = arith.constant 0 : index
    %get3A_108 = vector.load %arg3[%get3A_105, %get3A_106, %get3A_107] : memref<16x56x112xbf16, #tpu.memory_space<vmem>>, vector<1x56x112xbf16>
    %get3A_109 = vector.shape_cast %get3A_108 : vector<1x56x112xbf16> to vector<56x112xbf16>
    %slice3A = vector.extract_strided_slice %get3A_109 {offsets = [0, 0], sizes = [56, 56], strides = [1, 1]} : vector<56x112xbf16> to vector<56x56xbf16>
    %slice3A_110 = vector.extract_strided_slice %add3A_79 {offsets = [0, 0], sizes = [56, 256], strides = [1, 1]} : vector<896x256xf32> to vector<56x256xf32>
    %convert_element_type3A_111 = arith.truncf %slice3A_110 : vector<56x256xf32> to vector<56x256xbf16>
    %dot_general3A_112 = arith.constant dense<0.000000e+00> : vector<56x256xf32>
    %dot_general3A_113 = tpu.matmul %slice3A, %convert_element_type3A_111, %dot_general3A_112 {dimension_numbers = #tpu.dot_dimension_numbers<[1], [0], [0], [1], [0, 0, 1, 1], [], []>, transpose_lhs_hint = false} : vector<56x56xbf16>, vector<56x256xbf16>, vector<56x256xf32> -> vector<56x256xf32>
    %get3A_114 = arith.constant 0 : index
    %get3A_115 = arith.constant 0 : index
    %get3A_116 = vector.load %arg12[%get3A_114, %get3A_115] : memref<1x256xf32, #tpu.memory_space<vmem>>, vector<1x256xf32>
    %add3A_117 = vector.broadcast %get3A_116 : vector<1x256xf32> to vector<56x256xf32>
    %add3A_118 = arith.addf %dot_general3A_113, %add3A_117 : vector<56x256xf32>
    %swap3A = arith.constant 0 : index
    %swap3A_119 = arith.constant 0 : index
    %swap3A_120 = vector.load %arg15[%swap3A, %swap3A_119] : memref<896x512xf32, #tpu.memory_space<vmem>>, vector<56x256xf32>
    tpu.vector_store %arg15[%swap3A, %swap3A_119], %add3A_118 {strides = array<i32>} : memref<896x512xf32, #tpu.memory_space<vmem>>, vector<56x256xf32>,
    %slice3A_121 = vector.extract_strided_slice %get3A_109 {offsets = [0, 50], sizes = [56, 56], strides = [1, 1]} : vector<56x112xbf16> to vector<56x56xbf16>
    %slice3A_122 = vector.extract_strided_slice %add3A_104 {offsets = [0, 0], sizes = [56, 256], strides = [1, 1]} : vector<896x256xf32> to vector<56x256xf32>
    %convert_element_type3A_123 = arith.truncf %slice3A_122 : vector<56x256xf32> to vector<56x256xbf16>
    %dot_general3A_124 = arith.constant dense<0.000000e+00> : vector<56x256xf32>
    %dot_general3A_125 = tpu.matmul %slice3A_121, %convert_element_type3A_123, %dot_general3A_124 {dimension_numbers = #tpu.dot_dimension_numbers<[1], [0], [0], [1], [0, 0, 1, 1], [], []>, transpose_lhs_hint = false} : vector<56x56xbf16>, vector<56x256xbf16>, vector<56x256xf32> -> vector<56x256xf32>
    %get3A_126 = arith.constant 0 : index
    %get3A_127 = arith.constant 0 : index
    %get3A_128 = vector.load %arg13[%get3A_126, %get3A_127] : memref<1x256xf32, #tpu.memory_space<vmem>>, vector<1x256xf32>
    %add3A_129 = vector.broadcast %get3A_128 : vector<1x256xf32> to vector<56x256xf32>
    %add3A_130 = arith.addf %dot_general3A_125, %add3A_129 : vector<56x256xf32>
    %swap3A_131 = arith.constant 0 : index
    %swap3A_132 = arith.constant 256 : index
    %swap3A_133 = vector.load %arg15[%swap3A_131, %swap3A_132] : memref<896x512xf32, #tpu.memory_space<vmem>>, vector<56x256xf32>
    tpu.vector_store %arg15[%swap3A_131, %swap3A_132], %add3A_130 {strides = array<i32>} : memref<896x512xf32, #tpu.memory_space<vmem>>, vector<56x256xf32>,
    %get3A_134 = arith.constant 1 : index
    %get3A_135 = arith.constant 0 : index
    %get3A_136 = arith.constant 0 : index
    %get3A_137 = vector.load %arg3[%get3A_134, %get3A_135, %get3A_136] : memref<16x56x112xbf16, #tpu.memory_space<vmem>>, vector<1x56x112xbf16>
    %get3A_138 = vector.shape_cast %get3A_137 : vector<1x56x112xbf16> to vector<56x112xbf16>
    %slice3A_139 = vector.extract_strided_slice %get3A_138 {offsets = [0, 0], sizes = [56, 56], strides = [1, 1]} : vector<56x112xbf16> to vector<56x56xbf16>
    %slice3A_140 = vector.extract_strided_slice %add3A_79 {offsets = [56, 0], sizes = [56, 256], strides = [1, 1]} : vector<896x256xf32> to vector<56x256xf32>
    %convert_element_type3A_141 = arith.truncf %slice3A_140 : vector<56x256xf32> to vector<56x256xbf16>
    %dot_general3A_142 = arith.constant dense<0.000000e+00> : vector<56x256xf32>
    %dot_general3A_143 = tpu.matmul %slice3A_139, %convert_element_type3A_141, %dot_general3A_142 {dimension_numbers = #tpu.dot_dimension_numbers<[1], [0], [0], [1], [0, 0, 1, 1], [], []>, transpose_lhs_hint = false} : vector<56x56xbf16>, vector<56x256xbf16>, vector<56x256xf32> -> vector<56x256xf32>
    %get3A_144 = arith.constant 0 : index
    %get3A_145 = arith.constant 0 : index
    %get3A_146 = vector.load %arg12[%get3A_144, %get3A_145] : memref<1x256xf32, #tpu.memory_space<vmem>>, vector<1x256xf32>
    %add3A_147 = vector.broadcast %get3A_146 : vector<1x256xf32> to vector<56x256xf32>
    %add3A_148 = arith.addf %dot_general3A_143, %add3A_147 : vector<56x256xf32>
    %swap3A_149 = arith.constant 56 : index
    %swap3A_150 = arith.constant 0 : index
    %swap3A_151 = vector.load %arg15[%swap3A_149, %swap3A_150] : memref<896x512xf32, #tpu.memory_space<vmem>>, vector<56x256xf32>
    tpu.vector_store %arg15[%swap3A_149, %swap3A_150], %add3A_148 {strides = array<i32>} : memref<896x512xf32, #tpu.memory_space<vmem>>, vector<56x256xf32>,
    %slice3A_152 = vector.extract_strided_slice %get3A_138 {offsets = [0, 50], sizes = [56, 56], strides = [1, 1]} : vector<56x112xbf16> to vector<56x56xbf16>
    %slice3A_153 = vector.extract_strided_slice %add3A_104 {offsets = [56, 0], sizes = [56, 256], strides = [1, 1]} : vector<896x256xf32> to vector<56x256xf32>
    %convert_element_type3A_154 = arith.truncf %slice3A_153 : vector<56x256xf32> to vector<56x256xbf16>
    %dot_general3A_155 = arith.constant dense<0.000000e+00> : vector<56x256xf32>
    %dot_general3A_156 = tpu.matmul %slice3A_152, %convert_element_type3A_154, %dot_general3A_155 {dimension_numbers = #tpu.dot_dimension_numbers<[1], [0], [0], [1], [0, 0, 1, 1], [], []>, transpose_lhs_hint = false} : vector<56x56xbf16>, vector<56x256xbf16>, vector<56x256xf32> -> vector<56x256xf32>
    %get3A_157 = arith.constant 0 : index
    %get3A_158 = arith.constant 0 : index
    %get3A_159 = vector.load %arg13[%get3A_157, %get3A_158] : memref<1x256xf32, #tpu.memory_space<vmem>>, vector<1x256xf32>
    %add3A_160 = vector.broadcast %get3A_159 : vector<1x256xf32> to vector<56x256xf32>
    %add3A_161 = arith.addf %dot_general3A_156, %add3A_160 : vector<56x256xf32>
    %swap3A_162 = arith.constant 56 : index
    %swap3A_163 = arith.constant 256 : index
    %swap3A_164 = vector.load %arg15[%swap3A_162, %swap3A_163] : memref<896x512xf32, #tpu.memory_space<vmem>>, vector<56x256xf32>
    tpu.vector_store %arg15[%swap3A_162, %swap3A_163], %add3A_161 {strides = array<i32>} : memref<896x512xf32, #tpu.memory_space<vmem>>, vector<56x256xf32>,
    %get3A_165 = arith.constant 2 : index
    %get3A_166 = arith.constant 0 : index
    %get3A_167 = arith.constant 0 : index
    %get3A_168 = vector.load %arg3[%get3A_165, %get3A_166, %get3A_167] : memref<16x56x112xbf16, #tpu.memory_space<vmem>>, vector<1x56x112xbf16>
    %get3A_169 = vector.shape_cast %get3A_168 : vector<1x56x112xbf16> to vector<56x112xbf16>
    %slice3A_170 = vector.extract_strided_slice %get3A_169 {offsets = [0, 0], sizes = [56, 56], strides = [1, 1]} : vector<56x112xbf16> to vector<56x56xbf16>
    %slice3A_171 = vector.extract_strided_slice %add3A_79 {offsets = [112, 0], sizes = [56, 256], strides = [1, 1]} : vector<896x256xf32> to vector<56x256xf32>
    %convert_element_type3A_172 = arith.truncf %slice3A_171 : vector<56x256xf32> to vector<56x256xbf16>
    %dot_general3A_173 = arith.constant dense<0.000000e+00> : vector<56x256xf32>
    %dot_general3A_174 = tpu.matmul %slice3A_170, %convert_element_type3A_172, %dot_general3A_173 {dimension_numbers = #tpu.dot_dimension_numbers<[1], [0], [0], [1], [0, 0, 1, 1], [], []>, transpose_lhs_hint = false} : vector<56x56xbf16>, vector<56x256xbf16>, vector<56x256xf32> -> vector<56x256xf32>
    %get3A_175 = arith.constant 0 : index
    %get3A_176 = arith.constant 0 : index
    %get3A_177 = vector.load %arg12[%get3A_175, %get3A_176] : memref<1x256xf32, #tpu.memory_space<vmem>>, vector<1x256xf32>
    %add3A_178 = vector.broadcast %get3A_177 : vector<1x256xf32> to vector<56x256xf32>
    %add3A_179 = arith.addf %dot_general3A_174, %add3A_178 : vector<56x256xf32>
    %swap3A_180 = arith.constant 112 : index
    %swap3A_181 = arith.constant 0 : index
    %swap3A_182 = vector.load %arg15[%swap3A_180, %swap3A_181] : memref<896x512xf32, #tpu.memory_space<vmem>>, vector<56x256xf32>
    tpu.vector_store %arg15[%swap3A_180, %swap3A_181], %add3A_179 {strides = array<i32>} : memref<896x512xf32, #tpu.memory_space<vmem>>, vector<56x256xf32>,
    %slice3A_183 = vector.extract_strided_slice %get3A_169 {offsets = [0, 50], sizes = [56, 56], strides = [1, 1]} : vector<56x112xbf16> to vector<56x56xbf16>
    %slice3A_184 = vector.extract_strided_slice %add3A_104 {offsets = [112, 0], sizes = [56, 256], strides = [1, 1]} : vector<896x256xf32> to vector<56x256xf32>
    %convert_element_type3A_185 = arith.truncf %slice3A_184 : vector<56x256xf32> to vector<56x256xbf16>
    %dot_general3A_186 = arith.constant dense<0.000000e+00> : vector<56x256xf32>
    %dot_general3A_187 = tpu.matmul %slice3A_183, %convert_element_type3A_185, %dot_general3A_186 {dimension_numbers = #tpu.dot_dimension_numbers<[1], [0], [0], [1], [0, 0, 1, 1], [], []>, transpose_lhs_hint = false} : vector<56x56xbf16>, vector<56x256xbf16>, vector<56x256xf32> -> vector<56x256xf32>
    %get3A_188 = arith.constant 0 : index
    %get3A_189 = arith.constant 0 : index
    %get3A_190 = vector.load %arg13[%get3A_188, %get3A_189] : memref<1x256xf32, #tpu.memory_space<vmem>>, vector<1x256xf32>
    %add3A_191 = vector.broadcast %get3A_190 : vector<1x256xf32> to vector<56x256xf32>
    %add3A_192 = arith.addf %dot_general3A_187, %add3A_191 : vector<56x256xf32>
    %swap3A_193 = arith.constant 112 : index
    %swap3A_194 = arith.constant 256 : index
    %swap3A_195 = vector.load %arg15[%swap3A_193, %swap3A_194] : memref<896x512xf32, #tpu.memory_space<vmem>>, vector<56x256xf32>
    tpu.vector_store %arg15[%swap3A_193, %swap3A_194], %add3A_192 {strides = array<i32>} : memref<896x512xf32, #tpu.memory_space<vmem>>, vector<56x256xf32>,
    %get3A_196 = arith.constant 3 : index
    %get3A_197 = arith.constant 0 : index
    %get3A_198 = arith.constant 0 : index
    %get3A_199 = vector.load %arg3[%get3A_196, %get3A_197, %get3A_198] : memref<16x56x112xbf16, #tpu.memory_space<vmem>>, vector<1x56x112xbf16>
    %get3A_200 = vector.shape_cast %get3A_199 : vector<1x56x112xbf16> to vector<56x112xbf16>
    %slice3A_201 = vector.extract_strided_slice %get3A_200 {offsets = [0, 0], sizes = [56, 56], strides = [1, 1]} : vector<56x112xbf16> to vector<56x56xbf16>
    %slice3A_202 = vector.extract_strided_slice %add3A_79 {offsets = [168, 0], sizes = [56, 256], strides = [1, 1]} : vector<896x256xf32> to vector<56x256xf32>
    %convert_element_type3A_203 = arith.truncf %slice3A_202 : vector<56x256xf32> to vector<56x256xbf16>
    %dot_general3A_204 = arith.constant dense<0.000000e+00> : vector<56x256xf32>
    %dot_general3A_205 = tpu.matmul %slice3A_201, %convert_element_type3A_203, %dot_general3A_204 {dimension_numbers = #tpu.dot_dimension_numbers<[1], [0], [0], [1], [0, 0, 1, 1], [], []>, transpose_lhs_hint = false} : vector<56x56xbf16>, vector<56x256xbf16>, vector<56x256xf32> -> vector<56x256xf32>
    %get3A_206 = arith.constant 0 : index
    %get3A_207 = arith.constant 0 : index
    %get3A_208 = vector.load %arg12[%get3A_206, %get3A_207] : memref<1x256xf32, #tpu.memory_space<vmem>>, vector<1x256xf32>
    %add3A_209 = vector.broadcast %get3A_208 : vector<1x256xf32> to vector<56x256xf32>
    %add3A_210 = arith.addf %dot_general3A_205, %add3A_209 : vector<56x256xf32>
    %swap3A_211 = arith.constant 168 : index
    %swap3A_212 = arith.constant 0 : index
    %swap3A_213 = vector.load %arg15[%swap3A_211, %swap3A_212] : memref<896x512xf32, #tpu.memory_space<vmem>>, vector<56x256xf32>
    tpu.vector_store %arg15[%swap3A_211, %swap3A_212], %add3A_210 {strides = array<i32>} : memref<896x512xf32, #tpu.memory_space<vmem>>, vector<56x256xf32>,
    %slice3A_214 = vector.extract_strided_slice %get3A_200 {offsets = [0, 50], sizes = [56, 56], strides = [1, 1]} : vector<56x112xbf16> to vector<56x56xbf16>
    %slice3A_215 = vector.extract_strided_slice %add3A_104 {offsets = [168, 0], sizes = [56, 256], strides = [1, 1]} : vector<896x256xf32> to vector<56x256xf32>
    %convert_element_type3A_216 = arith.truncf %slice3A_215 : vector<56x256xf32> to vector<56x256xbf16>
    %dot_general3A_217 = arith.constant dense<0.000000e+00> : vector<56x256xf32>
    %dot_general3A_218 = tpu.matmul %slice3A_214, %convert_element_type3A_216, %dot_general3A_217 {dimension_numbers = #tpu.dot_dimension_numbers<[1], [0], [0], [1], [0, 0, 1, 1], [], []>, transpose_lhs_hint = false} : vector<56x56xbf16>, vector<56x256xbf16>, vector<56x256xf32> -> vector<56x256xf32>
    %get3A_219 = arith.constant 0 : index
    %get3A_220 = arith.constant 0 : index
    %get3A_221 = vector.load %arg13[%get3A_219, %get3A_220] : memref<1x256xf32, #tpu.memory_space<vmem>>, vector<1x256xf32>
    %add3A_222 = vector.broadcast %get3A_221 : vector<1x256xf32> to vector<56x256xf32>
    %add3A_223 = arith.addf %dot_general3A_218, %add3A_222 : vector<56x256xf32>
    %swap3A_224 = arith.constant 168 : index
    %swap3A_225 = arith.constant 256 : index
    %swap3A_226 = vector.load %arg15[%swap3A_224, %swap3A_225] : memref<896x512xf32, #tpu.memory_space<vmem>>, vector<56x256xf32>
    tpu.vector_store %arg15[%swap3A_224, %swap3A_225], %add3A_223 {strides = array<i32>} : memref<896x512xf32, #tpu.memory_space<vmem>>, vector<56x256xf32>,
    %get3A_227 = arith.constant 4 : index
    %get3A_228 = arith.constant 0 : index
    %get3A_229 = arith.constant 0 : index
    %get3A_230 = vector.load %arg3[%get3A_227, %get3A_228, %get3A_229] : memref<16x56x112xbf16, #tpu.memory_space<vmem>>, vector<1x56x112xbf16>
    %get3A_231 = vector.shape_cast %get3A_230 : vector<1x56x112xbf16> to vector<56x112xbf16>
    %slice3A_232 = vector.extract_strided_slice %get3A_231 {offsets = [0, 0], sizes = [56, 56], strides = [1, 1]} : vector<56x112xbf16> to vector<56x56xbf16>
    %slice3A_233 = vector.extract_strided_slice %add3A_79 {offsets = [224, 0], sizes = [56, 256], strides = [1, 1]} : vector<896x256xf32> to vector<56x256xf32>
    %convert_element_type3A_234 = arith.truncf %slice3A_233 : vector<56x256xf32> to vector<56x256xbf16>
    %dot_general3A_235 = arith.constant dense<0.000000e+00> : vector<56x256xf32>
    %dot_general3A_236 = tpu.matmul %slice3A_232, %convert_element_type3A_234, %dot_general3A_235 {dimension_numbers = #tpu.dot_dimension_numbers<[1], [0], [0], [1], [0, 0, 1, 1], [], []>, transpose_lhs_hint = false} : vector<56x56xbf16>, vector<56x256xbf16>, vector<56x256xf32> -> vector<56x256xf32>
    %get3A_237 = arith.constant 0 : index
    %get3A_238 = arith.constant 0 : index
    %get3A_239 = vector.load %arg12[%get3A_237, %get3A_238] : memref<1x256xf32, #tpu.memory_space<vmem>>, vector<1x256xf32>
    %add3A_240 = vector.broadcast %get3A_239 : vector<1x256xf32> to vector<56x256xf32>
    %add3A_241 = arith.addf %dot_general3A_236, %add3A_240 : vector<56x256xf32>
    %swap3A_242 = arith.constant 224 : index
    %swap3A_243 = arith.constant 0 : index
    %swap3A_244 = vector.load %arg15[%swap3A_242, %swap3A_243] : memref<896x512xf32, #tpu.memory_space<vmem>>, vector<56x256xf32>
    tpu.vector_store %arg15[%swap3A_242, %swap3A_243], %add3A_241 {strides = array<i32>} : memref<896x512xf32, #tpu.memory_space<vmem>>, vector<56x256xf32>,
    %slice3A_245 = vector.extract_strided_slice %get3A_231 {offsets = [0, 50], sizes = [56, 56], strides = [1, 1]} : vector<56x112xbf16> to vector<56x56xbf16>
    %slice3A_246 = vector.extract_strided_slice %add3A_104 {offsets = [224, 0], sizes = [56, 256], strides = [1, 1]} : vector<896x256xf32> to vector<56x256xf32>
    %convert_element_type3A_247 = arith.truncf %slice3A_246 : vector<56x256xf32> to vector<56x256xbf16>
    %dot_general3A_248 = arith.constant dense<0.000000e+00> : vector<56x256xf32>
    %dot_general3A_249 = tpu.matmul %slice3A_245, %convert_element_type3A_247, %dot_general3A_248 {dimension_numbers = #tpu.dot_dimension_numbers<[1], [0], [0], [1], [0, 0, 1, 1], [], []>, transpose_lhs_hint = false} : vector<56x56xbf16>, vector<56x256xbf16>, vector<56x256xf32> -> vector<56x256xf32>
    %get3A_250 = arith.constant 0 : index
    %get3A_251 = arith.constant 0 : index
    %get3A_252 = vector.load %arg13[%get3A_250, %get3A_251] : memref<1x256xf32, #tpu.memory_space<vmem>>, vector<1x256xf32>
    %add3A_253 = vector.broadcast %get3A_252 : vector<1x256xf32> to vector<56x256xf32>
    %add3A_254 = arith.addf %dot_general3A_249, %add3A_253 : vector<56x256xf32>
    %swap3A_255 = arith.constant 224 : index
    %swap3A_256 = arith.constant 256 : index
    %swap3A_257 = vector.load %arg15[%swap3A_255, %swap3A_256] : memref<896x512xf32, #tpu.memory_space<vmem>>, vector<56x256xf32>
    tpu.vector_store %arg15[%swap3A_255, %swap3A_256], %add3A_254 {strides = array<i32>} : memref<896x512xf32, #tpu.memory_space<vmem>>, vector<56x256xf32>,
    %get3A_258 = arith.constant 5 : index
    %get3A_259 = arith.constant 0 : index
    %get3A_260 = arith.constant 0 : index
    %get3A_261 = vector.load %arg3[%get3A_258, %get3A_259, %get3A_260] : memref<16x56x112xbf16, #tpu.memory_space<vmem>>, vector<1x56x112xbf16>
    %get3A_262 = vector.shape_cast %get3A_261 : vector<1x56x112xbf16> to vector<56x112xbf16>
    %slice3A_263 = vector.extract_strided_slice %get3A_262 {offsets = [0, 0], sizes = [56, 56], strides = [1, 1]} : vector<56x112xbf16> to vector<56x56xbf16>
    %slice3A_264 = vector.extract_strided_slice %add3A_79 {offsets = [280, 0], sizes = [56, 256], strides = [1, 1]} : vector<896x256xf32> to vector<56x256xf32>
    %convert_element_type3A_265 = arith.truncf %slice3A_264 : vector<56x256xf32> to vector<56x256xbf16>
    %dot_general3A_266 = arith.constant dense<0.000000e+00> : vector<56x256xf32>
    %dot_general3A_267 = tpu.matmul %slice3A_263, %convert_element_type3A_265, %dot_general3A_266 {dimension_numbers = #tpu.dot_dimension_numbers<[1], [0], [0], [1], [0, 0, 1, 1], [], []>, transpose_lhs_hint = false} : vector<56x56xbf16>, vector<56x256xbf16>, vector<56x256xf32> -> vector<56x256xf32>
    %get3A_268 = arith.constant 0 : index
    %get3A_269 = arith.constant 0 : index
    %get3A_270 = vector.load %arg12[%get3A_268, %get3A_269] : memref<1x256xf32, #tpu.memory_space<vmem>>, vector<1x256xf32>
    %add3A_271 = vector.broadcast %get3A_270 : vector<1x256xf32> to vector<56x256xf32>
    %add3A_272 = arith.addf %dot_general3A_267, %add3A_271 : vector<56x256xf32>
    %swap3A_273 = arith.constant 280 : index
    %swap3A_274 = arith.constant 0 : index
    %swap3A_275 = vector.load %arg15[%swap3A_273, %swap3A_274] : memref<896x512xf32, #tpu.memory_space<vmem>>, vector<56x256xf32>
    tpu.vector_store %arg15[%swap3A_273, %swap3A_274], %add3A_272 {strides = array<i32>} : memref<896x512xf32, #tpu.memory_space<vmem>>, vector<56x256xf32>,
    %slice3A_276 = vector.extract_strided_slice %get3A_262 {offsets = [0, 50], sizes = [56, 56], strides = [1, 1]} : vector<56x112xbf16> to vector<56x56xbf16>
    %slice3A_277 = vector.extract_strided_slice %add3A_104 {offsets = [280, 0], sizes = [56, 256], strides = [1, 1]} : vector<896x256xf32> to vector<56x256xf32>
    %convert_element_type3A_278 = arith.truncf %slice3A_277 : vector<56x256xf32> to vector<56x256xbf16>
    %dot_general3A_279 = arith.constant dense<0.000000e+00> : vector<56x256xf32>
    %dot_general3A_280 = tpu.matmul %slice3A_276, %convert_element_type3A_278, %dot_general3A_279 {dimension_numbers = #tpu.dot_dimension_numbers<[1], [0], [0], [1], [0, 0, 1, 1], [], []>, transpose_lhs_hint = false} : vector<56x56xbf16>, vector<56x256xbf16>, vector<56x256xf32> -> vector<56x256xf32>
    %get3A_281 = arith.constant 0 : index
    %get3A_282 = arith.constant 0 : index
    %get3A_283 = vector.load %arg13[%get3A_281, %get3A_282] : memref<1x256xf32, #tpu.memory_space<vmem>>, vector<1x256xf32>
    %add3A_284 = vector.broadcast %get3A_283 : vector<1x256xf32> to vector<56x256xf32>
    %add3A_285 = arith.addf %dot_general3A_280, %add3A_284 : vector<56x256xf32>
    %swap3A_286 = arith.constant 280 : index
    %swap3A_287 = arith.constant 256 : index
    %swap3A_288 = vector.load %arg15[%swap3A_286, %swap3A_287] : memref<896x512xf32, #tpu.memory_space<vmem>>, vector<56x256xf32>
    tpu.vector_store %arg15[%swap3A_286, %swap3A_287], %add3A_285 {strides = array<i32>} : memref<896x512xf32, #tpu.memory_space<vmem>>, vector<56x256xf32>,
    %get3A_289 = arith.constant 6 : index
    %get3A_290 = arith.constant 0 : index
    %get3A_291 = arith.constant 0 : index
    %get3A_292 = vector.load %arg3[%get3A_289, %get3A_290, %get3A_291] : memref<16x56x112xbf16, #tpu.memory_space<vmem>>, vector<1x56x112xbf16>
    %get3A_293 = vector.shape_cast %get3A_292 : vector<1x56x112xbf16> to vector<56x112xbf16>
    %slice3A_294 = vector.extract_strided_slice %get3A_293 {offsets = [0, 0], sizes = [56, 56], strides = [1, 1]} : vector<56x112xbf16> to vector<56x56xbf16>
    %slice3A_295 = vector.extract_strided_slice %add3A_79 {offsets = [336, 0], sizes = [56, 256], strides = [1, 1]} : vector<896x256xf32> to vector<56x256xf32>
    %convert_element_type3A_296 = arith.truncf %slice3A_295 : vector<56x256xf32> to vector<56x256xbf16>
    %dot_general3A_297 = arith.constant dense<0.000000e+00> : vector<56x256xf32>
    %dot_general3A_298 = tpu.matmul %slice3A_294, %convert_element_type3A_296, %dot_general3A_297 {dimension_numbers = #tpu.dot_dimension_numbers<[1], [0], [0], [1], [0, 0, 1, 1], [], []>, transpose_lhs_hint = false} : vector<56x56xbf16>, vector<56x256xbf16>, vector<56x256xf32> -> vector<56x256xf32>
    %get3A_299 = arith.constant 0 : index
    %get3A_300 = arith.constant 0 : index
    %get3A_301 = vector.load %arg12[%get3A_299, %get3A_300] : memref<1x256xf32, #tpu.memory_space<vmem>>, vector<1x256xf32>
    %add3A_302 = vector.broadcast %get3A_301 : vector<1x256xf32> to vector<56x256xf32>
    %add3A_303 = arith.addf %dot_general3A_298, %add3A_302 : vector<56x256xf32>
    %swap3A_304 = arith.constant 336 : index
    %swap3A_305 = arith.constant 0 : index
    %swap3A_306 = vector.load %arg15[%swap3A_304, %swap3A_305] : memref<896x512xf32, #tpu.memory_space<vmem>>, vector<56x256xf32>
    tpu.vector_store %arg15[%swap3A_304, %swap3A_305], %add3A_303 {strides = array<i32>} : memref<896x512xf32, #tpu.memory_space<vmem>>, vector<56x256xf32>,
    %slice3A_307 = vector.extract_strided_slice %get3A_293 {offsets = [0, 50], sizes = [56, 56], strides = [1, 1]} : vector<56x112xbf16> to vector<56x56xbf16>
    %slice3A_308 = vector.extract_strided_slice %add3A_104 {offsets = [336, 0], sizes = [56, 256], strides = [1, 1]} : vector<896x256xf32> to vector<56x256xf32>
    %convert_element_type3A_309 = arith.truncf %slice3A_308 : vector<56x256xf32> to vector<56x256xbf16>
    %dot_general3A_310 = arith.constant dense<0.000000e+00> : vector<56x256xf32>
    %dot_general3A_311 = tpu.matmul %slice3A_307, %convert_element_type3A_309, %dot_general3A_310 {dimension_numbers = #tpu.dot_dimension_numbers<[1], [0], [0], [1], [0, 0, 1, 1], [], []>, transpose_lhs_hint = false} : vector<56x56xbf16>, vector<56x256xbf16>, vector<56x256xf32> -> vector<56x256xf32>
    %get3A_312 = arith.constant 0 : index
    %get3A_313 = arith.constant 0 : index
    %get3A_314 = vector.load %arg13[%get3A_312, %get3A_313] : memref<1x256xf32, #tpu.memory_space<vmem>>, vector<1x256xf32>
    %add3A_315 = vector.broadcast %get3A_314 : vector<1x256xf32> to vector<56x256xf32>
    %add3A_316 = arith.addf %dot_general3A_311, %add3A_315 : vector<56x256xf32>
    %swap3A_317 = arith.constant 336 : index
    %swap3A_318 = arith.constant 256 : index
    %swap3A_319 = vector.load %arg15[%swap3A_317, %swap3A_318] : memref<896x512xf32, #tpu.memory_space<vmem>>, vector<56x256xf32>
    tpu.vector_store %arg15[%swap3A_317, %swap3A_318], %add3A_316 {strides = array<i32>} : memref<896x512xf32, #tpu.memory_space<vmem>>, vector<56x256xf32>,
    %get3A_320 = arith.constant 7 : index
    %get3A_321 = arith.constant 0 : index
    %get3A_322 = arith.constant 0 : index
    %get3A_323 = vector.load %arg3[%get3A_320, %get3A_321, %get3A_322] : memref<16x56x112xbf16, #tpu.memory_space<vmem>>, vector<1x56x112xbf16>
    %get3A_324 = vector.shape_cast %get3A_323 : vector<1x56x112xbf16> to vector<56x112xbf16>
    %slice3A_325 = vector.extract_strided_slice %get3A_324 {offsets = [0, 0], sizes = [56, 56], strides = [1, 1]} : vector<56x112xbf16> to vector<56x56xbf16>
    %slice3A_326 = vector.extract_strided_slice %add3A_79 {offsets = [392, 0], sizes = [56, 256], strides = [1, 1]} : vector<896x256xf32> to vector<56x256xf32>
    %convert_element_type3A_327 = arith.truncf %slice3A_326 : vector<56x256xf32> to vector<56x256xbf16>
    %dot_general3A_328 = arith.constant dense<0.000000e+00> : vector<56x256xf32>
    %dot_general3A_329 = tpu.matmul %slice3A_325, %convert_element_type3A_327, %dot_general3A_328 {dimension_numbers = #tpu.dot_dimension_numbers<[1], [0], [0], [1], [0, 0, 1, 1], [], []>, transpose_lhs_hint = false} : vector<56x56xbf16>, vector<56x256xbf16>, vector<56x256xf32> -> vector<56x256xf32>
    %get3A_330 = arith.constant 0 : index
    %get3A_331 = arith.constant 0 : index
    %get3A_332 = vector.load %arg12[%get3A_330, %get3A_331] : memref<1x256xf32, #tpu.memory_space<vmem>>, vector<1x256xf32>
    %add3A_333 = vector.broadcast %get3A_332 : vector<1x256xf32> to vector<56x256xf32>
    %add3A_334 = arith.addf %dot_general3A_329, %add3A_333 : vector<56x256xf32>
    %swap3A_335 = arith.constant 392 : index
    %swap3A_336 = arith.constant 0 : index
    %swap3A_337 = vector.load %arg15[%swap3A_335, %swap3A_336] : memref<896x512xf32, #tpu.memory_space<vmem>>, vector<56x256xf32>
    tpu.vector_store %arg15[%swap3A_335, %swap3A_336], %add3A_334 {strides = array<i32>} : memref<896x512xf32, #tpu.memory_space<vmem>>, vector<56x256xf32>,
    %slice3A_338 = vector.extract_strided_slice %get3A_324 {offsets = [0, 50], sizes = [56, 56], strides = [1, 1]} : vector<56x112xbf16> to vector<56x56xbf16>
    %slice3A_339 = vector.extract_strided_slice %add3A_104 {offsets = [392, 0], sizes = [56, 256], strides = [1, 1]} : vector<896x256xf32> to vector<56x256xf32>
    %convert_element_type3A_340 = arith.truncf %slice3A_339 : vector<56x256xf32> to vector<56x256xbf16>
    %dot_general3A_341 = arith.constant dense<0.000000e+00> : vector<56x256xf32>
    %dot_general3A_342 = tpu.matmul %slice3A_338, %convert_element_type3A_340, %dot_general3A_341 {dimension_numbers = #tpu.dot_dimension_numbers<[1], [0], [0], [1], [0, 0, 1, 1], [], []>, transpose_lhs_hint = false} : vector<56x56xbf16>, vector<56x256xbf16>, vector<56x256xf32> -> vector<56x256xf32>
    %get3A_343 = arith.constant 0 : index
    %get3A_344 = arith.constant 0 : index
    %get3A_345 = vector.load %arg13[%get3A_343, %get3A_344] : memref<1x256xf32, #tpu.memory_space<vmem>>, vector<1x256xf32>
    %add3A_346 = vector.broadcast %get3A_345 : vector<1x256xf32> to vector<56x256xf32>
    %add3A_347 = arith.addf %dot_general3A_342, %add3A_346 : vector<56x256xf32>
    %swap3A_348 = arith.constant 392 : index
    %swap3A_349 = arith.constant 256 : index
    %swap3A_350 = vector.load %arg15[%swap3A_348, %swap3A_349] : memref<896x512xf32, #tpu.memory_space<vmem>>, vector<56x256xf32>
    tpu.vector_store %arg15[%swap3A_348, %swap3A_349], %add3A_347 {strides = array<i32>} : memref<896x512xf32, #tpu.memory_space<vmem>>, vector<56x256xf32>,
    %get3A_351 = arith.constant 8 : index
    %get3A_352 = arith.constant 0 : index
    %get3A_353 = arith.constant 0 : index
    %get3A_354 = vector.load %arg3[%get3A_351, %get3A_352, %get3A_353] : memref<16x56x112xbf16, #tpu.memory_space<vmem>>, vector<1x56x112xbf16>
    %get3A_355 = vector.shape_cast %get3A_354 : vector<1x56x112xbf16> to vector<56x112xbf16>
    %slice3A_356 = vector.extract_strided_slice %get3A_355 {offsets = [0, 0], sizes = [56, 56], strides = [1, 1]} : vector<56x112xbf16> to vector<56x56xbf16>
    %slice3A_357 = vector.extract_strided_slice %add3A_79 {offsets = [448, 0], sizes = [56, 256], strides = [1, 1]} : vector<896x256xf32> to vector<56x256xf32>
    %convert_element_type3A_358 = arith.truncf %slice3A_357 : vector<56x256xf32> to vector<56x256xbf16>
    %dot_general3A_359 = arith.constant dense<0.000000e+00> : vector<56x256xf32>
    %dot_general3A_360 = tpu.matmul %slice3A_356, %convert_element_type3A_358, %dot_general3A_359 {dimension_numbers = #tpu.dot_dimension_numbers<[1], [0], [0], [1], [0, 0, 1, 1], [], []>, transpose_lhs_hint = false} : vector<56x56xbf16>, vector<56x256xbf16>, vector<56x256xf32> -> vector<56x256xf32>
    %get3A_361 = arith.constant 0 : index
    %get3A_362 = arith.constant 0 : index
    %get3A_363 = vector.load %arg12[%get3A_361, %get3A_362] : memref<1x256xf32, #tpu.memory_space<vmem>>, vector<1x256xf32>
    %add3A_364 = vector.broadcast %get3A_363 : vector<1x256xf32> to vector<56x256xf32>
    %add3A_365 = arith.addf %dot_general3A_360, %add3A_364 : vector<56x256xf32>
    %swap3A_366 = arith.constant 448 : index
    %swap3A_367 = arith.constant 0 : index
    %swap3A_368 = vector.load %arg15[%swap3A_366, %swap3A_367] : memref<896x512xf32, #tpu.memory_space<vmem>>, vector<56x256xf32>
    tpu.vector_store %arg15[%swap3A_366, %swap3A_367], %add3A_365 {strides = array<i32>} : memref<896x512xf32, #tpu.memory_space<vmem>>, vector<56x256xf32>,
    %slice3A_369 = vector.extract_strided_slice %get3A_355 {offsets = [0, 50], sizes = [56, 56], strides = [1, 1]} : vector<56x112xbf16> to vector<56x56xbf16>
    %slice3A_370 = vector.extract_strided_slice %add3A_104 {offsets = [448, 0], sizes = [56, 256], strides = [1, 1]} : vector<896x256xf32> to vector<56x256xf32>
    %convert_element_type3A_371 = arith.truncf %slice3A_370 : vector<56x256xf32> to vector<56x256xbf16>
    %dot_general3A_372 = arith.constant dense<0.000000e+00> : vector<56x256xf32>
    %dot_general3A_373 = tpu.matmul %slice3A_369, %convert_element_type3A_371, %dot_general3A_372 {dimension_numbers = #tpu.dot_dimension_numbers<[1], [0], [0], [1], [0, 0, 1, 1], [], []>, transpose_lhs_hint = false} : vector<56x56xbf16>, vector<56x256xbf16>, vector<56x256xf32> -> vector<56x256xf32>
    %get3A_374 = arith.constant 0 : index
    %get3A_375 = arith.constant 0 : index
    %get3A_376 = vector.load %arg13[%get3A_374, %get3A_375] : memref<1x256xf32, #tpu.memory_space<vmem>>, vector<1x256xf32>
    %add3A_377 = vector.broadcast %get3A_376 : vector<1x256xf32> to vector<56x256xf32>
    %add3A_378 = arith.addf %dot_general3A_373, %add3A_377 : vector<56x256xf32>
    %swap3A_379 = arith.constant 448 : index
    %swap3A_380 = arith.constant 256 : index
    %swap3A_381 = vector.load %arg15[%swap3A_379, %swap3A_380] : memref<896x512xf32, #tpu.memory_space<vmem>>, vector<56x256xf32>
    tpu.vector_store %arg15[%swap3A_379, %swap3A_380], %add3A_378 {strides = array<i32>} : memref<896x512xf32, #tpu.memory_space<vmem>>, vector<56x256xf32>,
    %get3A_382 = arith.constant 9 : index
    %get3A_383 = arith.constant 0 : index
    %get3A_384 = arith.constant 0 : index
    %get3A_385 = vector.load %arg3[%get3A_382, %get3A_383, %get3A_384] : memref<16x56x112xbf16, #tpu.memory_space<vmem>>, vector<1x56x112xbf16>
    %get3A_386 = vector.shape_cast %get3A_385 : vector<1x56x112xbf16> to vector<56x112xbf16>
    %slice3A_387 = vector.extract_strided_slice %get3A_386 {offsets = [0, 0], sizes = [56, 56], strides = [1, 1]} : vector<56x112xbf16> to vector<56x56xbf16>
    %slice3A_388 = vector.extract_strided_slice %add3A_79 {offsets = [504, 0], sizes = [56, 256], strides = [1, 1]} : vector<896x256xf32> to vector<56x256xf32>
    %convert_element_type3A_389 = arith.truncf %slice3A_388 : vector<56x256xf32> to vector<56x256xbf16>
    %dot_general3A_390 = arith.constant dense<0.000000e+00> : vector<56x256xf32>
    %dot_general3A_391 = tpu.matmul %slice3A_387, %convert_element_type3A_389, %dot_general3A_390 {dimension_numbers = #tpu.dot_dimension_numbers<[1], [0], [0], [1], [0, 0, 1, 1], [], []>, transpose_lhs_hint = false} : vector<56x56xbf16>, vector<56x256xbf16>, vector<56x256xf32> -> vector<56x256xf32>
    %get3A_392 = arith.constant 0 : index
    %get3A_393 = arith.constant 0 : index
    %get3A_394 = vector.load %arg12[%get3A_392, %get3A_393] : memref<1x256xf32, #tpu.memory_space<vmem>>, vector<1x256xf32>
    %add3A_395 = vector.broadcast %get3A_394 : vector<1x256xf32> to vector<56x256xf32>
    %add3A_396 = arith.addf %dot_general3A_391, %add3A_395 : vector<56x256xf32>
    %swap3A_397 = arith.constant 504 : index
    %swap3A_398 = arith.constant 0 : index
    %swap3A_399 = vector.load %arg15[%swap3A_397, %swap3A_398] : memref<896x512xf32, #tpu.memory_space<vmem>>, vector<56x256xf32>
    tpu.vector_store %arg15[%swap3A_397, %swap3A_398], %add3A_396 {strides = array<i32>} : memref<896x512xf32, #tpu.memory_space<vmem>>, vector<56x256xf32>,
    %slice3A_400 = vector.extract_strided_slice %get3A_386 {offsets = [0, 50], sizes = [56, 56], strides = [1, 1]} : vector<56x112xbf16> to vector<56x56xbf16>
    %slice3A_401 = vector.extract_strided_slice %add3A_104 {offsets = [504, 0], sizes = [56, 256], strides = [1, 1]} : vector<896x256xf32> to vector<56x256xf32>
    %convert_element_type3A_402 = arith.truncf %slice3A_401 : vector<56x256xf32> to vector<56x256xbf16>
    %dot_general3A_403 = arith.constant dense<0.000000e+00> : vector<56x256xf32>
    %dot_general3A_404 = tpu.matmul %slice3A_400, %convert_element_type3A_402, %dot_general3A_403 {dimension_numbers = #tpu.dot_dimension_numbers<[1], [0], [0], [1], [0, 0, 1, 1], [], []>, transpose_lhs_hint = false} : vector<56x56xbf16>, vector<56x256xbf16>, vector<56x256xf32> -> vector<56x256xf32>
    %get3A_405 = arith.constant 0 : index
    %get3A_406 = arith.constant 0 : index
    %get3A_407 = vector.load %arg13[%get3A_405, %get3A_406] : memref<1x256xf32, #tpu.memory_space<vmem>>, vector<1x256xf32>
    %add3A_408 = vector.broadcast %get3A_407 : vector<1x256xf32> to vector<56x256xf32>
    %add3A_409 = arith.addf %dot_general3A_404, %add3A_408 : vector<56x256xf32>
    %swap3A_410 = arith.constant 504 : index
    %swap3A_411 = arith.constant 256 : index
    %swap3A_412 = vector.load %arg15[%swap3A_410, %swap3A_411] : memref<896x512xf32, #tpu.memory_space<vmem>>, vector<56x256xf32>
    tpu.vector_store %arg15[%swap3A_410, %swap3A_411], %add3A_409 {strides = array<i32>} : memref<896x512xf32, #tpu.memory_space<vmem>>, vector<56x256xf32>,
    %get3A_413 = arith.constant 10 : index
    %get3A_414 = arith.constant 0 : index
    %get3A_415 = arith.constant 0 : index
    %get3A_416 = vector.load %arg3[%get3A_413, %get3A_414, %get3A_415] : memref<16x56x112xbf16, #tpu.memory_space<vmem>>, vector<1x56x112xbf16>
    %get3A_417 = vector.shape_cast %get3A_416 : vector<1x56x112xbf16> to vector<56x112xbf16>
    %slice3A_418 = vector.extract_strided_slice %get3A_417 {offsets = [0, 0], sizes = [56, 56], strides = [1, 1]} : vector<56x112xbf16> to vector<56x56xbf16>
    %slice3A_419 = vector.extract_strided_slice %add3A_79 {offsets = [560, 0], sizes = [56, 256], strides = [1, 1]} : vector<896x256xf32> to vector<56x256xf32>
    %convert_element_type3A_420 = arith.truncf %slice3A_419 : vector<56x256xf32> to vector<56x256xbf16>
    %dot_general3A_421 = arith.constant dense<0.000000e+00> : vector<56x256xf32>
    %dot_general3A_422 = tpu.matmul %slice3A_418, %convert_element_type3A_420, %dot_general3A_421 {dimension_numbers = #tpu.dot_dimension_numbers<[1], [0], [0], [1], [0, 0, 1, 1], [], []>, transpose_lhs_hint = false} : vector<56x56xbf16>, vector<56x256xbf16>, vector<56x256xf32> -> vector<56x256xf32>
    %get3A_423 = arith.constant 0 : index
    %get3A_424 = arith.constant 0 : index
    %get3A_425 = vector.load %arg12[%get3A_423, %get3A_424] : memref<1x256xf32, #tpu.memory_space<vmem>>, vector<1x256xf32>
    %add3A_426 = vector.broadcast %get3A_425 : vector<1x256xf32> to vector<56x256xf32>
    %add3A_427 = arith.addf %dot_general3A_422, %add3A_426 : vector<56x256xf32>
    %swap3A_428 = arith.constant 560 : index
    %swap3A_429 = arith.constant 0 : index
    %swap3A_430 = vector.load %arg15[%swap3A_428, %swap3A_429] : memref<896x512xf32, #tpu.memory_space<vmem>>, vector<56x256xf32>
    tpu.vector_store %arg15[%swap3A_428, %swap3A_429], %add3A_427 {strides = array<i32>} : memref<896x512xf32, #tpu.memory_space<vmem>>, vector<56x256xf32>,
    %slice3A_431 = vector.extract_strided_slice %get3A_417 {offsets = [0, 50], sizes = [56, 56], strides = [1, 1]} : vector<56x112xbf16> to vector<56x56xbf16>
    %slice3A_432 = vector.extract_strided_slice %add3A_104 {offsets = [560, 0], sizes = [56, 256], strides = [1, 1]} : vector<896x256xf32> to vector<56x256xf32>
    %convert_element_type3A_433 = arith.truncf %slice3A_432 : vector<56x256xf32> to vector<56x256xbf16>
    %dot_general3A_434 = arith.constant dense<0.000000e+00> : vector<56x256xf32>
    %dot_general3A_435 = tpu.matmul %slice3A_431, %convert_element_type3A_433, %dot_general3A_434 {dimension_numbers = #tpu.dot_dimension_numbers<[1], [0], [0], [1], [0, 0, 1, 1], [], []>, transpose_lhs_hint = false} : vector<56x56xbf16>, vector<56x256xbf16>, vector<56x256xf32> -> vector<56x256xf32>
    %get3A_436 = arith.constant 0 : index
    %get3A_437 = arith.constant 0 : index
    %get3A_438 = vector.load %arg13[%get3A_436, %get3A_437] : memref<1x256xf32, #tpu.memory_space<vmem>>, vector<1x256xf32>
    %add3A_439 = vector.broadcast %get3A_438 : vector<1x256xf32> to vector<56x256xf32>
    %add3A_440 = arith.addf %dot_general3A_435, %add3A_439 : vector<56x256xf32>
    %swap3A_441 = arith.constant 560 : index
    %swap3A_442 = arith.constant 256 : index
    %swap3A_443 = vector.load %arg15[%swap3A_441, %swap3A_442] : memref<896x512xf32, #tpu.memory_space<vmem>>, vector<56x256xf32>
    tpu.vector_store %arg15[%swap3A_441, %swap3A_442], %add3A_440 {strides = array<i32>} : memref<896x512xf32, #tpu.memory_space<vmem>>, vector<56x256xf32>,
    %get3A_444 = arith.constant 11 : index
    %get3A_445 = arith.constant 0 : index
    %get3A_446 = arith.constant 0 : index
    %get3A_447 = vector.load %arg3[%get3A_444, %get3A_445, %get3A_446] : memref<16x56x112xbf16, #tpu.memory_space<vmem>>, vector<1x56x112xbf16>
    %get3A_448 = vector.shape_cast %get3A_447 : vector<1x56x112xbf16> to vector<56x112xbf16>
    %slice3A_449 = vector.extract_strided_slice %get3A_448 {offsets = [0, 0], sizes = [56, 56], strides = [1, 1]} : vector<56x112xbf16> to vector<56x56xbf16>
    %slice3A_450 = vector.extract_strided_slice %add3A_79 {offsets = [616, 0], sizes = [56, 256], strides = [1, 1]} : vector<896x256xf32> to vector<56x256xf32>
    %convert_element_type3A_451 = arith.truncf %slice3A_450 : vector<56x256xf32> to vector<56x256xbf16>
    %dot_general3A_452 = arith.constant dense<0.000000e+00> : vector<56x256xf32>
    %dot_general3A_453 = tpu.matmul %slice3A_449, %convert_element_type3A_451, %dot_general3A_452 {dimension_numbers = #tpu.dot_dimension_numbers<[1], [0], [0], [1], [0, 0, 1, 1], [], []>, transpose_lhs_hint = false} : vector<56x56xbf16>, vector<56x256xbf16>, vector<56x256xf32> -> vector<56x256xf32>
    %get3A_454 = arith.constant 0 : index
    %get3A_455 = arith.constant 0 : index
    %get3A_456 = vector.load %arg12[%get3A_454, %get3A_455] : memref<1x256xf32, #tpu.memory_space<vmem>>, vector<1x256xf32>
    %add3A_457 = vector.broadcast %get3A_456 : vector<1x256xf32> to vector<56x256xf32>
    %add3A_458 = arith.addf %dot_general3A_453, %add3A_457 : vector<56x256xf32>
    %swap3A_459 = arith.constant 616 : index
    %swap3A_460 = arith.constant 0 : index
    %swap3A_461 = vector.load %arg15[%swap3A_459, %swap3A_460] : memref<896x512xf32, #tpu.memory_space<vmem>>, vector<56x256xf32>
    tpu.vector_store %arg15[%swap3A_459, %swap3A_460], %add3A_458 {strides = array<i32>} : memref<896x512xf32, #tpu.memory_space<vmem>>, vector<56x256xf32>,
    %slice3A_462 = vector.extract_strided_slice %get3A_448 {offsets = [0, 50], sizes = [56, 56], strides = [1, 1]} : vector<56x112xbf16> to vector<56x56xbf16>
    %slice3A_463 = vector.extract_strided_slice %add3A_104 {offsets = [616, 0], sizes = [56, 256], strides = [1, 1]} : vector<896x256xf32> to vector<56x256xf32>
    %convert_element_type3A_464 = arith.truncf %slice3A_463 : vector<56x256xf32> to vector<56x256xbf16>
    %dot_general3A_465 = arith.constant dense<0.000000e+00> : vector<56x256xf32>
    %dot_general3A_466 = tpu.matmul %slice3A_462, %convert_element_type3A_464, %dot_general3A_465 {dimension_numbers = #tpu.dot_dimension_numbers<[1], [0], [0], [1], [0, 0, 1, 1], [], []>, transpose_lhs_hint = false} : vector<56x56xbf16>, vector<56x256xbf16>, vector<56x256xf32> -> vector<56x256xf32>
    %get3A_467 = arith.constant 0 : index
    %get3A_468 = arith.constant 0 : index
    %get3A_469 = vector.load %arg13[%get3A_467, %get3A_468] : memref<1x256xf32, #tpu.memory_space<vmem>>, vector<1x256xf32>
    %add3A_470 = vector.broadcast %get3A_469 : vector<1x256xf32> to vector<56x256xf32>
    %add3A_471 = arith.addf %dot_general3A_466, %add3A_470 : vector<56x256xf32>
    %swap3A_472 = arith.constant 616 : index
    %swap3A_473 = arith.constant 256 : index
    %swap3A_474 = vector.load %arg15[%swap3A_472, %swap3A_473] : memref<896x512xf32, #tpu.memory_space<vmem>>, vector<56x256xf32>
    tpu.vector_store %arg15[%swap3A_472, %swap3A_473], %add3A_471 {strides = array<i32>} : memref<896x512xf32, #tpu.memory_space<vmem>>, vector<56x256xf32>,
    %get3A_475 = arith.constant 12 : index
    %get3A_476 = arith.constant 0 : index
    %get3A_477 = arith.constant 0 : index
    %get3A_478 = vector.load %arg3[%get3A_475, %get3A_476, %get3A_477] : memref<16x56x112xbf16, #tpu.memory_space<vmem>>, vector<1x56x112xbf16>
    %get3A_479 = vector.shape_cast %get3A_478 : vector<1x56x112xbf16> to vector<56x112xbf16>
    %slice3A_480 = vector.extract_strided_slice %get3A_479 {offsets = [0, 0], sizes = [56, 56], strides = [1, 1]} : vector<56x112xbf16> to vector<56x56xbf16>
    %slice3A_481 = vector.extract_strided_slice %add3A_79 {offsets = [672, 0], sizes = [56, 256], strides = [1, 1]} : vector<896x256xf32> to vector<56x256xf32>
    %convert_element_type3A_482 = arith.truncf %slice3A_481 : vector<56x256xf32> to vector<56x256xbf16>
    %dot_general3A_483 = arith.constant dense<0.000000e+00> : vector<56x256xf32>
    %dot_general3A_484 = tpu.matmul %slice3A_480, %convert_element_type3A_482, %dot_general3A_483 {dimension_numbers = #tpu.dot_dimension_numbers<[1], [0], [0], [1], [0, 0, 1, 1], [], []>, transpose_lhs_hint = false} : vector<56x56xbf16>, vector<56x256xbf16>, vector<56x256xf32> -> vector<56x256xf32>
    %get3A_485 = arith.constant 0 : index
    %get3A_486 = arith.constant 0 : index
    %get3A_487 = vector.load %arg12[%get3A_485, %get3A_486] : memref<1x256xf32, #tpu.memory_space<vmem>>, vector<1x256xf32>
    %add3A_488 = vector.broadcast %get3A_487 : vector<1x256xf32> to vector<56x256xf32>
    %add3A_489 = arith.addf %dot_general3A_484, %add3A_488 : vector<56x256xf32>
    %swap3A_490 = arith.constant 672 : index
    %swap3A_491 = arith.constant 0 : index
    %swap3A_492 = vector.load %arg15[%swap3A_490, %swap3A_491] : memref<896x512xf32, #tpu.memory_space<vmem>>, vector<56x256xf32>
    tpu.vector_store %arg15[%swap3A_490, %swap3A_491], %add3A_489 {strides = array<i32>} : memref<896x512xf32, #tpu.memory_space<vmem>>, vector<56x256xf32>,
    %slice3A_493 = vector.extract_strided_slice %get3A_479 {offsets = [0, 50], sizes = [56, 56], strides = [1, 1]} : vector<56x112xbf16> to vector<56x56xbf16>
    %slice3A_494 = vector.extract_strided_slice %add3A_104 {offsets = [672, 0], sizes = [56, 256], strides = [1, 1]} : vector<896x256xf32> to vector<56x256xf32>
    %convert_element_type3A_495 = arith.truncf %slice3A_494 : vector<56x256xf32> to vector<56x256xbf16>
    %dot_general3A_496 = arith.constant dense<0.000000e+00> : vector<56x256xf32>
    %dot_general3A_497 = tpu.matmul %slice3A_493, %convert_element_type3A_495, %dot_general3A_496 {dimension_numbers = #tpu.dot_dimension_numbers<[1], [0], [0], [1], [0, 0, 1, 1], [], []>, transpose_lhs_hint = false} : vector<56x56xbf16>, vector<56x256xbf16>, vector<56x256xf32> -> vector<56x256xf32>
    %get3A_498 = arith.constant 0 : index
    %get3A_499 = arith.constant 0 : index
    %get3A_500 = vector.load %arg13[%get3A_498, %get3A_499] : memref<1x256xf32, #tpu.memory_space<vmem>>, vector<1x256xf32>
    %add3A_501 = vector.broadcast %get3A_500 : vector<1x256xf32> to vector<56x256xf32>
    %add3A_502 = arith.addf %dot_general3A_497, %add3A_501 : vector<56x256xf32>
    %swap3A_503 = arith.constant 672 : index
    %swap3A_504 = arith.constant 256 : index
    %swap3A_505 = vector.load %arg15[%swap3A_503, %swap3A_504] : memref<896x512xf32, #tpu.memory_space<vmem>>, vector<56x256xf32>
    tpu.vector_store %arg15[%swap3A_503, %swap3A_504], %add3A_502 {strides = array<i32>} : memref<896x512xf32, #tpu.memory_space<vmem>>, vector<56x256xf32>,
    %get3A_506 = arith.constant 13 : index
    %get3A_507 = arith.constant 0 : index
    %get3A_508 = arith.constant 0 : index
    %get3A_509 = vector.load %arg3[%get3A_506, %get3A_507, %get3A_508] : memref<16x56x112xbf16, #tpu.memory_space<vmem>>, vector<1x56x112xbf16>
    %get3A_510 = vector.shape_cast %get3A_509 : vector<1x56x112xbf16> to vector<56x112xbf16>
    %slice3A_511 = vector.extract_strided_slice %get3A_510 {offsets = [0, 0], sizes = [56, 56], strides = [1, 1]} : vector<56x112xbf16> to vector<56x56xbf16>
    %slice3A_512 = vector.extract_strided_slice %add3A_79 {offsets = [728, 0], sizes = [56, 256], strides = [1, 1]} : vector<896x256xf32> to vector<56x256xf32>
    %convert_element_type3A_513 = arith.truncf %slice3A_512 : vector<56x256xf32> to vector<56x256xbf16>
    %dot_general3A_514 = arith.constant dense<0.000000e+00> : vector<56x256xf32>
    %dot_general3A_515 = tpu.matmul %slice3A_511, %convert_element_type3A_513, %dot_general3A_514 {dimension_numbers = #tpu.dot_dimension_numbers<[1], [0], [0], [1], [0, 0, 1, 1], [], []>, transpose_lhs_hint = false} : vector<56x56xbf16>, vector<56x256xbf16>, vector<56x256xf32> -> vector<56x256xf32>
    %get3A_516 = arith.constant 0 : index
    %get3A_517 = arith.constant 0 : index
    %get3A_518 = vector.load %arg12[%get3A_516, %get3A_517] : memref<1x256xf32, #tpu.memory_space<vmem>>, vector<1x256xf32>
    %add3A_519 = vector.broadcast %get3A_518 : vector<1x256xf32> to vector<56x256xf32>
    %add3A_520 = arith.addf %dot_general3A_515, %add3A_519 : vector<56x256xf32>
    %swap3A_521 = arith.constant 728 : index
    %swap3A_522 = arith.constant 0 : index
    %swap3A_523 = vector.load %arg15[%swap3A_521, %swap3A_522] : memref<896x512xf32, #tpu.memory_space<vmem>>, vector<56x256xf32>
    tpu.vector_store %arg15[%swap3A_521, %swap3A_522], %add3A_520 {strides = array<i32>} : memref<896x512xf32, #tpu.memory_space<vmem>>, vector<56x256xf32>,
    %slice3A_524 = vector.extract_strided_slice %get3A_510 {offsets = [0, 50], sizes = [56, 56], strides = [1, 1]} : vector<56x112xbf16> to vector<56x56xbf16>
    %slice3A_525 = vector.extract_strided_slice %add3A_104 {offsets = [728, 0], sizes = [56, 256], strides = [1, 1]} : vector<896x256xf32> to vector<56x256xf32>
    %convert_element_type3A_526 = arith.truncf %slice3A_525 : vector<56x256xf32> to vector<56x256xbf16>
    %dot_general3A_527 = arith.constant dense<0.000000e+00> : vector<56x256xf32>
    %dot_general3A_528 = tpu.matmul %slice3A_524, %convert_element_type3A_526, %dot_general3A_527 {dimension_numbers = #tpu.dot_dimension_numbers<[1], [0], [0], [1], [0, 0, 1, 1], [], []>, transpose_lhs_hint = false} : vector<56x56xbf16>, vector<56x256xbf16>, vector<56x256xf32> -> vector<56x256xf32>
    %get3A_529 = arith.constant 0 : index
    %get3A_530 = arith.constant 0 : index
    %get3A_531 = vector.load %arg13[%get3A_529, %get3A_530] : memref<1x256xf32, #tpu.memory_space<vmem>>, vector<1x256xf32>
    %add3A_532 = vector.broadcast %get3A_531 : vector<1x256xf32> to vector<56x256xf32>
    %add3A_533 = arith.addf %dot_general3A_528, %add3A_532 : vector<56x256xf32>
    %swap3A_534 = arith.constant 728 : index
    %swap3A_535 = arith.constant 256 : index
    %swap3A_536 = vector.load %arg15[%swap3A_534, %swap3A_535] : memref<896x512xf32, #tpu.memory_space<vmem>>, vector<56x256xf32>
    tpu.vector_store %arg15[%swap3A_534, %swap3A_535], %add3A_533 {strides = array<i32>} : memref<896x512xf32, #tpu.memory_space<vmem>>, vector<56x256xf32>,
    %get3A_537 = arith.constant 14 : index
    %get3A_538 = arith.constant 0 : index
    %get3A_539 = arith.constant 0 : index
    %get3A_540 = vector.load %arg3[%get3A_537, %get3A_538, %get3A_539] : memref<16x56x112xbf16, #tpu.memory_space<vmem>>, vector<1x56x112xbf16>
    %get3A_541 = vector.shape_cast %get3A_540 : vector<1x56x112xbf16> to vector<56x112xbf16>
    %slice3A_542 = vector.extract_strided_slice %get3A_541 {offsets = [0, 0], sizes = [56, 56], strides = [1, 1]} : vector<56x112xbf16> to vector<56x56xbf16>
    %slice3A_543 = vector.extract_strided_slice %add3A_79 {offsets = [784, 0], sizes = [56, 256], strides = [1, 1]} : vector<896x256xf32> to vector<56x256xf32>
    %convert_element_type3A_544 = arith.truncf %slice3A_543 : vector<56x256xf32> to vector<56x256xbf16>
    %dot_general3A_545 = arith.constant dense<0.000000e+00> : vector<56x256xf32>
    %dot_general3A_546 = tpu.matmul %slice3A_542, %convert_element_type3A_544, %dot_general3A_545 {dimension_numbers = #tpu.dot_dimension_numbers<[1], [0], [0], [1], [0, 0, 1, 1], [], []>, transpose_lhs_hint = false} : vector<56x56xbf16>, vector<56x256xbf16>, vector<56x256xf32> -> vector<56x256xf32>
    %get3A_547 = arith.constant 0 : index
    %get3A_548 = arith.constant 0 : index
    %get3A_549 = vector.load %arg12[%get3A_547, %get3A_548] : memref<1x256xf32, #tpu.memory_space<vmem>>, vector<1x256xf32>
    %add3A_550 = vector.broadcast %get3A_549 : vector<1x256xf32> to vector<56x256xf32>
    %add3A_551 = arith.addf %dot_general3A_546, %add3A_550 : vector<56x256xf32>
    %swap3A_552 = arith.constant 784 : index
    %swap3A_553 = arith.constant 0 : index
    %swap3A_554 = vector.load %arg15[%swap3A_552, %swap3A_553] : memref<896x512xf32, #tpu.memory_space<vmem>>, vector<56x256xf32>
    tpu.vector_store %arg15[%swap3A_552, %swap3A_553], %add3A_551 {strides = array<i32>} : memref<896x512xf32, #tpu.memory_space<vmem>>, vector<56x256xf32>,
    %slice3A_555 = vector.extract_strided_slice %get3A_541 {offsets = [0, 50], sizes = [56, 56], strides = [1, 1]} : vector<56x112xbf16> to vector<56x56xbf16>
    %slice3A_556 = vector.extract_strided_slice %add3A_104 {offsets = [784, 0], sizes = [56, 256], strides = [1, 1]} : vector<896x256xf32> to vector<56x256xf32>
    %convert_element_type3A_557 = arith.truncf %slice3A_556 : vector<56x256xf32> to vector<56x256xbf16>
    %dot_general3A_558 = arith.constant dense<0.000000e+00> : vector<56x256xf32>
    %dot_general3A_559 = tpu.matmul %slice3A_555, %convert_element_type3A_557, %dot_general3A_558 {dimension_numbers = #tpu.dot_dimension_numbers<[1], [0], [0], [1], [0, 0, 1, 1], [], []>, transpose_lhs_hint = false} : vector<56x56xbf16>, vector<56x256xbf16>, vector<56x256xf32> -> vector<56x256xf32>
    %get3A_560 = arith.constant 0 : index
    %get3A_561 = arith.constant 0 : index
    %get3A_562 = vector.load %arg13[%get3A_560, %get3A_561] : memref<1x256xf32, #tpu.memory_space<vmem>>, vector<1x256xf32>
    %add3A_563 = vector.broadcast %get3A_562 : vector<1x256xf32> to vector<56x256xf32>
    %add3A_564 = arith.addf %dot_general3A_559, %add3A_563 : vector<56x256xf32>
    %swap3A_565 = arith.constant 784 : index
    %swap3A_566 = arith.constant 256 : index
    %swap3A_567 = vector.load %arg15[%swap3A_565, %swap3A_566] : memref<896x512xf32, #tpu.memory_space<vmem>>, vector<56x256xf32>
    tpu.vector_store %arg15[%swap3A_565, %swap3A_566], %add3A_564 {strides = array<i32>} : memref<896x512xf32, #tpu.memory_space<vmem>>, vector<56x256xf32>,
    %get3A_568 = arith.constant 15 : index
    %get3A_569 = arith.constant 0 : index
    %get3A_570 = arith.constant 0 : index
    %get3A_571 = vector.load %arg3[%get3A_568, %get3A_569, %get3A_570] : memref<16x56x112xbf16, #tpu.memory_space<vmem>>, vector<1x56x112xbf16>
    %get3A_572 = vector.shape_cast %get3A_571 : vector<1x56x112xbf16> to vector<56x112xbf16>
    %slice3A_573 = vector.extract_strided_slice %get3A_572 {offsets = [0, 0], sizes = [56, 56], strides = [1, 1]} : vector<56x112xbf16> to vector<56x56xbf16>
    %slice3A_574 = vector.extract_strided_slice %add3A_79 {offsets = [840, 0], sizes = [56, 256], strides = [1, 1]} : vector<896x256xf32> to vector<56x256xf32>
    %convert_element_type3A_575 = arith.truncf %slice3A_574 : vector<56x256xf32> to vector<56x256xbf16>
    %dot_general3A_576 = arith.constant dense<0.000000e+00> : vector<56x256xf32>
    %dot_general3A_577 = tpu.matmul %slice3A_573, %convert_element_type3A_575, %dot_general3A_576 {dimension_numbers = #tpu.dot_dimension_numbers<[1], [0], [0], [1], [0, 0, 1, 1], [], []>, transpose_lhs_hint = false} : vector<56x56xbf16>, vector<56x256xbf16>, vector<56x256xf32> -> vector<56x256xf32>
    %get3A_578 = arith.constant 0 : index
    %get3A_579 = arith.constant 0 : index
    %get3A_580 = vector.load %arg12[%get3A_578, %get3A_579] : memref<1x256xf32, #tpu.memory_space<vmem>>, vector<1x256xf32>
    %add3A_581 = vector.broadcast %get3A_580 : vector<1x256xf32> to vector<56x256xf32>
    %add3A_582 = arith.addf %dot_general3A_577, %add3A_581 : vector<56x256xf32>
    %swap3A_583 = arith.constant 840 : index
    %swap3A_584 = arith.constant 0 : index
    %swap3A_585 = vector.load %arg15[%swap3A_583, %swap3A_584] : memref<896x512xf32, #tpu.memory_space<vmem>>, vector<56x256xf32>
    tpu.vector_store %arg15[%swap3A_583, %swap3A_584], %add3A_582 {strides = array<i32>} : memref<896x512xf32, #tpu.memory_space<vmem>>, vector<56x256xf32>,
    %slice3A_586 = vector.extract_strided_slice %get3A_572 {offsets = [0, 50], sizes = [56, 56], strides = [1, 1]} : vector<56x112xbf16> to vector<56x56xbf16>
    %slice3A_587 = vector.extract_strided_slice %add3A_104 {offsets = [840, 0], sizes = [56, 256], strides = [1, 1]} : vector<896x256xf32> to vector<56x256xf32>
    %convert_element_type3A_588 = arith.truncf %slice3A_587 : vector<56x256xf32> to vector<56x256xbf16>
    %dot_general3A_589 = arith.constant dense<0.000000e+00> : vector<56x256xf32>
    %dot_general3A_590 = tpu.matmul %slice3A_586, %convert_element_type3A_588, %dot_general3A_589 {dimension_numbers = #tpu.dot_dimension_numbers<[1], [0], [0], [1], [0, 0, 1, 1], [], []>, transpose_lhs_hint = false} : vector<56x56xbf16>, vector<56x256xbf16>, vector<56x256xf32> -> vector<56x256xf32>
    %get3A_591 = arith.constant 0 : index
    %get3A_592 = arith.constant 0 : index
    %get3A_593 = vector.load %arg13[%get3A_591, %get3A_592] : memref<1x256xf32, #tpu.memory_space<vmem>>, vector<1x256xf32>
    %add3A_594 = vector.broadcast %get3A_593 : vector<1x256xf32> to vector<56x256xf32>
    %add3A_595 = arith.addf %dot_general3A_590, %add3A_594 : vector<56x256xf32>
    %swap3A_596 = arith.constant 840 : index
    %swap3A_597 = arith.constant 256 : index
    %swap3A_598 = vector.load %arg15[%swap3A_596, %swap3A_597] : memref<896x512xf32, #tpu.memory_space<vmem>>, vector<56x256xf32>
    tpu.vector_store %arg15[%swap3A_596, %swap3A_597], %add3A_595 {strides = array<i32>} : memref<896x512xf32, #tpu.memory_space<vmem>>, vector<56x256xf32>,
    %get3A_599 = arith.constant 0 : index
    %get3A_600 = arith.constant 0 : index
    %get3A_601 = vector.load %arg15[%get3A_599, %get3A_600] : memref<896x512xf32, #tpu.memory_space<vmem>>, vector<896x512xf32>
    %convert_element_type3A_602 = arith.truncf %get3A_601 : vector<896x512xf32> to vector<896x512xbf16>
    %get3A_603 = arith.constant 0 : index
    %get3A_604 = arith.constant 0 : index
    %get3A_605 = vector.load %arg6[%get3A_603, %get3A_604] : memref<512x768xbf16, #tpu.memory_space<vmem>>, vector<512x768xbf16>
    %dot_general3A_606 = arith.constant dense<0.000000e+00> : vector<896x768xf32>
    %dot_general3A_607 = tpu.matmul %convert_element_type3A_602, %get3A_605, %dot_general3A_606 {dimension_numbers = #tpu.dot_dimension_numbers<[1], [0], [0], [1], [0, 0, 1, 1], [], []>, transpose_lhs_hint = false} : vector<896x512xbf16>, vector<512x768xbf16>, vector<896x768xf32> -> vector<896x768xf32>
    %get3A_608 = arith.constant 0 : index
    %get3A_609 = arith.constant 0 : index
    %get3A_610 = vector.load %arg10[%get3A_608, %get3A_609] : memref<1x768xf32, #tpu.memory_space<vmem>>, vector<1x768xf32>
    %add3A_611 = vector.broadcast %get3A_610 : vector<1x768xf32> to vector<896x768xf32>
    %add3A_612 = arith.addf %dot_general3A_607, %add3A_611 : vector<896x768xf32>
    %get3A_613 = arith.constant 0 : index
    %get3A_614 = arith.constant 0 : index
    %get3A_615 = vector.load %arg11[%get3A_613, %get3A_614] : memref<1x768xf32, #tpu.memory_space<vmem>>, vector<1x768xf32>
    %get3A_616 = arith.constant 128 : index
    %get3A_617 = arith.constant 0 : index
    %get3A_618 = vector.load %arg7[%get3A_616, %get3A_617] : memref<256x768xbf16, #tpu.memory_space<vmem>>, vector<128x768xbf16>
    %dot_general3A_619 = arith.constant dense<0.000000e+00> : vector<56x768xf32>
    %dot_general3A_620 = tpu.matmul %convert_element_type3A_54, %get3A_618, %dot_general3A_619 {dimension_numbers = #tpu.dot_dimension_numbers<[1], [0], [0], [1], [0, 0, 1, 1], [], []>, transpose_lhs_hint = false} : vector<56x128xbf16>, vector<128x768xbf16>, vector<56x768xf32> -> vector<56x768xf32>
    %add3A_621 = vector.broadcast %get3A_615 : vector<1x768xf32> to vector<56x768xf32>
    %add3A_622 = arith.addf %dot_general3A_620, %add3A_621 : vector<56x768xf32>
    %lt3A_623 = arith.constant 50 : i32
    %lt3A_624 = vector.broadcast %lt3A_623 : i32 to vector<56x1xi32>
    %lt3A_625 = arith.cmpi slt, %iota3A_55, %lt3A_624 : vector<56x1xi32>
    %jit3A_626 = arith.constant 0.000000e+00 : f32
    %broadcast_in_dim3A_627 = vector.shape_cast %lt3A_625 : vector<56x1xi1> to vector<56x1xi1>
    %broadcast_in_dim3A_628 = vector.broadcast %broadcast_in_dim3A_627 : vector<56x1xi1> to vector<56x768xi1>
    %broadcast_in_dim3A_629 = vector.broadcast %jit3A_626 : f32 to vector<56x768xf32>
    %select_n3A_630 = arith.select %broadcast_in_dim3A_628, %add3A_622, %broadcast_in_dim3A_629 : vector<56x768xi1>, vector<56x768xf32>
    %get3A_631 = arith.constant 0 : index
    %get3A_632 = arith.constant 0 : index
    %get3A_633 = vector.load %arg7[%get3A_631, %get3A_632] : memref<256x768xbf16, #tpu.memory_space<vmem>>, vector<128x768xbf16>
    %dot_general3A_634 = arith.constant dense<0.000000e+00> : vector<896x768xf32>
    %dot_general3A_635 = tpu.matmul %convert_element_type3A, %get3A_633, %dot_general3A_634 {dimension_numbers = #tpu.dot_dimension_numbers<[1], [0], [0], [1], [0, 0, 1, 1], [], []>, transpose_lhs_hint = false} : vector<896x128xbf16>, vector<128x768xbf16>, vector<896x768xf32> -> vector<896x768xf32>
    %concatenate3A_636 = tpu.concatenate %select_n3A_630, %select_n3A_630, %select_n3A_630, %select_n3A_630, %select_n3A_630, %select_n3A_630, %select_n3A_630, %select_n3A_630, %select_n3A_630, %select_n3A_630, %select_n3A_630, %select_n3A_630, %select_n3A_630, %select_n3A_630, %select_n3A_630, %select_n3A_630 in 0 : vector<56x768xf32>, vector<56x768xf32>, vector<56x768xf32>, vector<56x768xf32>, vector<56x768xf32>, vector<56x768xf32>, vector<56x768xf32>, vector<56x768xf32>, vector<56x768xf32>, vector<56x768xf32>, vector<56x768xf32>, vector<56x768xf32>, vector<56x768xf32>, vector<56x768xf32>, vector<56x768xf32>, vector<56x768xf32> -> vector<896x768xf32>
    %add3A_637 = arith.addf %dot_general3A_635, %concatenate3A_636 : vector<896x768xf32>
    %slice3A_638 = vector.extract_strided_slice %add3A_612 {offsets = [0, 0], sizes = [896, 256], strides = [1, 1]} : vector<896x768xf32> to vector<896x256xf32>
    %slice3A_639 = vector.extract_strided_slice %add3A_637 {offsets = [0, 0], sizes = [896, 256], strides = [1, 1]} : vector<896x768xf32> to vector<896x256xf32>
    %add3A_640 = arith.addf %slice3A_638, %slice3A_639 : vector<896x256xf32>
    %logistic3A = arith.negf %add3A_640 : vector<896x256xf32>
    %logistic3A_641 = math.exp %logistic3A : vector<896x256xf32>
    %logistic3A_642 = arith.constant 1.000000e+00 : f32
    %logistic3A_643 = vector.broadcast %logistic3A_642 : f32 to vector<896x256xf32>
    %logistic3A_644 = arith.addf %logistic3A_643, %logistic3A_641 : vector<896x256xf32>
    %logistic3A_645 = arith.divf %logistic3A_643, %logistic3A_644 : vector<896x256xf32>
    %slice3A_646 = vector.extract_strided_slice %add3A_612 {offsets = [0, 256], sizes = [896, 256], strides = [1, 1]} : vector<896x768xf32> to vector<896x256xf32>
    %slice3A_647 = vector.extract_strided_slice %add3A_637 {offsets = [0, 256], sizes = [896, 256], strides = [1, 1]} : vector<896x768xf32> to vector<896x256xf32>
    %add3A_648 = arith.addf %slice3A_646, %slice3A_647 : vector<896x256xf32>
    %logistic3A_649 = arith.negf %add3A_648 : vector<896x256xf32>
    %logistic3A_650 = math.exp %logistic3A_649 : vector<896x256xf32>
    %logistic3A_651 = arith.constant 1.000000e+00 : f32
    %logistic3A_652 = vector.broadcast %logistic3A_651 : f32 to vector<896x256xf32>
    %logistic3A_653 = arith.addf %logistic3A_652, %logistic3A_650 : vector<896x256xf32>
    %logistic3A_654 = arith.divf %logistic3A_652, %logistic3A_653 : vector<896x256xf32>
    %slice3A_655 = vector.extract_strided_slice %add3A_612 {offsets = [0, 512], sizes = [896, 256], strides = [1, 1]} : vector<896x768xf32> to vector<896x256xf32>
    %slice3A_656 = vector.extract_strided_slice %add3A_637 {offsets = [0, 512], sizes = [896, 256], strides = [1, 1]} : vector<896x768xf32> to vector<896x256xf32>
    %mul3A_657 = arith.mulf %logistic3A_645, %slice3A_656 : vector<896x256xf32>
    %add3A_658 = arith.addf %slice3A_655, %mul3A_657 : vector<896x256xf32>
    %tanh3A = math.tanh %add3A_658 : vector<896x256xf32>
    %sub3A = arith.subf %concatenate3A_53, %tanh3A : vector<896x256xf32>
    %mul3A_659 = arith.mulf %logistic3A_654, %sub3A : vector<896x256xf32>
    %add3A_660 = arith.addf %tanh3A, %mul3A_659 : vector<896x256xf32>
    %slice3A_661 = vector.extract_strided_slice %add3A_660 {offsets = [0, 0], sizes = [50, 256], strides = [1, 1]} : vector<896x256xf32> to vector<50x256xf32>
    %swap3A_662 = arith.constant 0 : index
    %swap3A_663 = arith.constant 0 : index
    %swap3A_664 = arith.constant 0 : index
    %swap3A_665 = vector.load %arg14[%swap3A_662, %swap3A_663, %swap3A_664] : memref<50x16x256xf32, #tpu.memory_space<vmem>>, vector<50x1x256xf32>
    %swap3A_666 = vector.shape_cast %swap3A_665 : vector<50x1x256xf32> to vector<50x256xf32>
    %swap3A_667 = vector.shape_cast %slice3A_661 : vector<50x256xf32> to vector<50x1x256xf32>
    tpu.vector_store %arg14[%swap3A_662, %swap3A_663, %swap3A_664], %swap3A_667 {strides = array<i32>} : memref<50x16x256xf32, #tpu.memory_space<vmem>>, vector<50x1x256xf32>,
    %slice3A_668 = vector.extract_strided_slice %add3A_660 {offsets = [56, 0], sizes = [50, 256], strides = [1, 1]} : vector<896x256xf32> to vector<50x256xf32>
    %swap3A_669 = arith.constant 0 : index
    %swap3A_670 = arith.constant 1 : index
    %swap3A_671 = arith.constant 0 : index
    %swap3A_672 = vector.load %arg14[%swap3A_669, %swap3A_670, %swap3A_671] : memref<50x16x256xf32, #tpu.memory_space<vmem>>, vector<50x1x256xf32>
    %swap3A_673 = vector.shape_cast %swap3A_672 : vector<50x1x256xf32> to vector<50x256xf32>
    %swap3A_674 = vector.shape_cast %slice3A_668 : vector<50x256xf32> to vector<50x1x256xf32>
    tpu.vector_store %arg14[%swap3A_669, %swap3A_670, %swap3A_671], %swap3A_674 {strides = array<i32>} : memref<50x16x256xf32, #tpu.memory_space<vmem>>, vector<50x1x256xf32>,
    %slice3A_675 = vector.extract_strided_slice %add3A_660 {offsets = [112, 0], sizes = [50, 256], strides = [1, 1]} : vector<896x256xf32> to vector<50x256xf32>
    %swap3A_676 = arith.constant 0 : index
    %swap3A_677 = arith.constant 2 : index
    %swap3A_678 = arith.constant 0 : index
    %swap3A_679 = vector.load %arg14[%swap3A_676, %swap3A_677, %swap3A_678] : memref<50x16x256xf32, #tpu.memory_space<vmem>>, vector<50x1x256xf32>
    %swap3A_680 = vector.shape_cast %swap3A_679 : vector<50x1x256xf32> to vector<50x256xf32>
    %swap3A_681 = vector.shape_cast %slice3A_675 : vector<50x256xf32> to vector<50x1x256xf32>
    tpu.vector_store %arg14[%swap3A_676, %swap3A_677, %swap3A_678], %swap3A_681 {strides = array<i32>} : memref<50x16x256xf32, #tpu.memory_space<vmem>>, vector<50x1x256xf32>,
    %slice3A_682 = vector.extract_strided_slice %add3A_660 {offsets = [168, 0], sizes = [50, 256], strides = [1, 1]} : vector<896x256xf32> to vector<50x256xf32>
    %swap3A_683 = arith.constant 0 : index
    %swap3A_684 = arith.constant 3 : index
    %swap3A_685 = arith.constant 0 : index
    %swap3A_686 = vector.load %arg14[%swap3A_683, %swap3A_684, %swap3A_685] : memref<50x16x256xf32, #tpu.memory_space<vmem>>, vector<50x1x256xf32>
    %swap3A_687 = vector.shape_cast %swap3A_686 : vector<50x1x256xf32> to vector<50x256xf32>
    %swap3A_688 = vector.shape_cast %slice3A_682 : vector<50x256xf32> to vector<50x1x256xf32>
    tpu.vector_store %arg14[%swap3A_683, %swap3A_684, %swap3A_685], %swap3A_688 {strides = array<i32>} : memref<50x16x256xf32, #tpu.memory_space<vmem>>, vector<50x1x256xf32>,
    %slice3A_689 = vector.extract_strided_slice %add3A_660 {offsets = [224, 0], sizes = [50, 256], strides = [1, 1]} : vector<896x256xf32> to vector<50x256xf32>
    %swap3A_690 = arith.constant 0 : index
    %swap3A_691 = arith.constant 4 : index
    %swap3A_692 = arith.constant 0 : index
    %swap3A_693 = vector.load %arg14[%swap3A_690, %swap3A_691, %swap3A_692] : memref<50x16x256xf32, #tpu.memory_space<vmem>>, vector<50x1x256xf32>
    %swap3A_694 = vector.shape_cast %swap3A_693 : vector<50x1x256xf32> to vector<50x256xf32>
    %swap3A_695 = vector.shape_cast %slice3A_689 : vector<50x256xf32> to vector<50x1x256xf32>
    tpu.vector_store %arg14[%swap3A_690, %swap3A_691, %swap3A_692], %swap3A_695 {strides = array<i32>} : memref<50x16x256xf32, #tpu.memory_space<vmem>>, vector<50x1x256xf32>,
    %slice3A_696 = vector.extract_strided_slice %add3A_660 {offsets = [280, 0], sizes = [50, 256], strides = [1, 1]} : vector<896x256xf32> to vector<50x256xf32>
    %swap3A_697 = arith.constant 0 : index
    %swap3A_698 = arith.constant 5 : index
    %swap3A_699 = arith.constant 0 : index
    %swap3A_700 = vector.load %arg14[%swap3A_697, %swap3A_698, %swap3A_699] : memref<50x16x256xf32, #tpu.memory_space<vmem>>, vector<50x1x256xf32>
    %swap3A_701 = vector.shape_cast %swap3A_700 : vector<50x1x256xf32> to vector<50x256xf32>
    %swap3A_702 = vector.shape_cast %slice3A_696 : vector<50x256xf32> to vector<50x1x256xf32>
    tpu.vector_store %arg14[%swap3A_697, %swap3A_698, %swap3A_699], %swap3A_702 {strides = array<i32>} : memref<50x16x256xf32, #tpu.memory_space<vmem>>, vector<50x1x256xf32>,
    %slice3A_703 = vector.extract_strided_slice %add3A_660 {offsets = [336, 0], sizes = [50, 256], strides = [1, 1]} : vector<896x256xf32> to vector<50x256xf32>
    %swap3A_704 = arith.constant 0 : index
    %swap3A_705 = arith.constant 6 : index
    %swap3A_706 = arith.constant 0 : index
    %swap3A_707 = vector.load %arg14[%swap3A_704, %swap3A_705, %swap3A_706] : memref<50x16x256xf32, #tpu.memory_space<vmem>>, vector<50x1x256xf32>
    %swap3A_708 = vector.shape_cast %swap3A_707 : vector<50x1x256xf32> to vector<50x256xf32>
    %swap3A_709 = vector.shape_cast %slice3A_703 : vector<50x256xf32> to vector<50x1x256xf32>
    tpu.vector_store %arg14[%swap3A_704, %swap3A_705, %swap3A_706], %swap3A_709 {strides = array<i32>} : memref<50x16x256xf32, #tpu.memory_space<vmem>>, vector<50x1x256xf32>,
    %slice3A_710 = vector.extract_strided_slice %add3A_660 {offsets = [392, 0], sizes = [50, 256], strides = [1, 1]} : vector<896x256xf32> to vector<50x256xf32>
    %swap3A_711 = arith.constant 0 : index
    %swap3A_712 = arith.constant 7 : index
    %swap3A_713 = arith.constant 0 : index
    %swap3A_714 = vector.load %arg14[%swap3A_711, %swap3A_712, %swap3A_713] : memref<50x16x256xf32, #tpu.memory_space<vmem>>, vector<50x1x256xf32>
    %swap3A_715 = vector.shape_cast %swap3A_714 : vector<50x1x256xf32> to vector<50x256xf32>
    %swap3A_716 = vector.shape_cast %slice3A_710 : vector<50x256xf32> to vector<50x1x256xf32>
    tpu.vector_store %arg14[%swap3A_711, %swap3A_712, %swap3A_713], %swap3A_716 {strides = array<i32>} : memref<50x16x256xf32, #tpu.memory_space<vmem>>, vector<50x1x256xf32>,
    %slice3A_717 = vector.extract_strided_slice %add3A_660 {offsets = [448, 0], sizes = [50, 256], strides = [1, 1]} : vector<896x256xf32> to vector<50x256xf32>
    %swap3A_718 = arith.constant 0 : index
    %swap3A_719 = arith.constant 8 : index
    %swap3A_720 = arith.constant 0 : index
    %swap3A_721 = vector.load %arg14[%swap3A_718, %swap3A_719, %swap3A_720] : memref<50x16x256xf32, #tpu.memory_space<vmem>>, vector<50x1x256xf32>
    %swap3A_722 = vector.shape_cast %swap3A_721 : vector<50x1x256xf32> to vector<50x256xf32>
    %swap3A_723 = vector.shape_cast %slice3A_717 : vector<50x256xf32> to vector<50x1x256xf32>
    tpu.vector_store %arg14[%swap3A_718, %swap3A_719, %swap3A_720], %swap3A_723 {strides = array<i32>} : memref<50x16x256xf32, #tpu.memory_space<vmem>>, vector<50x1x256xf32>,
    %slice3A_724 = vector.extract_strided_slice %add3A_660 {offsets = [504, 0], sizes = [50, 256], strides = [1, 1]} : vector<896x256xf32> to vector<50x256xf32>
    %swap3A_725 = arith.constant 0 : index
    %swap3A_726 = arith.constant 9 : index
    %swap3A_727 = arith.constant 0 : index
    %swap3A_728 = vector.load %arg14[%swap3A_725, %swap3A_726, %swap3A_727] : memref<50x16x256xf32, #tpu.memory_space<vmem>>, vector<50x1x256xf32>
    %swap3A_729 = vector.shape_cast %swap3A_728 : vector<50x1x256xf32> to vector<50x256xf32>
    %swap3A_730 = vector.shape_cast %slice3A_724 : vector<50x256xf32> to vector<50x1x256xf32>
    tpu.vector_store %arg14[%swap3A_725, %swap3A_726, %swap3A_727], %swap3A_730 {strides = array<i32>} : memref<50x16x256xf32, #tpu.memory_space<vmem>>, vector<50x1x256xf32>,
    %slice3A_731 = vector.extract_strided_slice %add3A_660 {offsets = [560, 0], sizes = [50, 256], strides = [1, 1]} : vector<896x256xf32> to vector<50x256xf32>
    %swap3A_732 = arith.constant 0 : index
    %swap3A_733 = arith.constant 10 : index
    %swap3A_734 = arith.constant 0 : index
    %swap3A_735 = vector.load %arg14[%swap3A_732, %swap3A_733, %swap3A_734] : memref<50x16x256xf32, #tpu.memory_space<vmem>>, vector<50x1x256xf32>
    %swap3A_736 = vector.shape_cast %swap3A_735 : vector<50x1x256xf32> to vector<50x256xf32>
    %swap3A_737 = vector.shape_cast %slice3A_731 : vector<50x256xf32> to vector<50x1x256xf32>
    tpu.vector_store %arg14[%swap3A_732, %swap3A_733, %swap3A_734], %swap3A_737 {strides = array<i32>} : memref<50x16x256xf32, #tpu.memory_space<vmem>>, vector<50x1x256xf32>,
    %slice3A_738 = vector.extract_strided_slice %add3A_660 {offsets = [616, 0], sizes = [50, 256], strides = [1, 1]} : vector<896x256xf32> to vector<50x256xf32>
    %swap3A_739 = arith.constant 0 : index
    %swap3A_740 = arith.constant 11 : index
    %swap3A_741 = arith.constant 0 : index
    %swap3A_742 = vector.load %arg14[%swap3A_739, %swap3A_740, %swap3A_741] : memref<50x16x256xf32, #tpu.memory_space<vmem>>, vector<50x1x256xf32>
    %swap3A_743 = vector.shape_cast %swap3A_742 : vector<50x1x256xf32> to vector<50x256xf32>
    %swap3A_744 = vector.shape_cast %slice3A_738 : vector<50x256xf32> to vector<50x1x256xf32>
    tpu.vector_store %arg14[%swap3A_739, %swap3A_740, %swap3A_741], %swap3A_744 {strides = array<i32>} : memref<50x16x256xf32, #tpu.memory_space<vmem>>, vector<50x1x256xf32>,
    %slice3A_745 = vector.extract_strided_slice %add3A_660 {offsets = [672, 0], sizes = [50, 256], strides = [1, 1]} : vector<896x256xf32> to vector<50x256xf32>
    %swap3A_746 = arith.constant 0 : index
    %swap3A_747 = arith.constant 12 : index
    %swap3A_748 = arith.constant 0 : index
    %swap3A_749 = vector.load %arg14[%swap3A_746, %swap3A_747, %swap3A_748] : memref<50x16x256xf32, #tpu.memory_space<vmem>>, vector<50x1x256xf32>
    %swap3A_750 = vector.shape_cast %swap3A_749 : vector<50x1x256xf32> to vector<50x256xf32>
    %swap3A_751 = vector.shape_cast %slice3A_745 : vector<50x256xf32> to vector<50x1x256xf32>
    tpu.vector_store %arg14[%swap3A_746, %swap3A_747, %swap3A_748], %swap3A_751 {strides = array<i32>} : memref<50x16x256xf32, #tpu.memory_space<vmem>>, vector<50x1x256xf32>,
    %slice3A_752 = vector.extract_strided_slice %add3A_660 {offsets = [728, 0], sizes = [50, 256], strides = [1, 1]} : vector<896x256xf32> to vector<50x256xf32>
    %swap3A_753 = arith.constant 0 : index
    %swap3A_754 = arith.constant 13 : index
    %swap3A_755 = arith.constant 0 : index
    %swap3A_756 = vector.load %arg14[%swap3A_753, %swap3A_754, %swap3A_755] : memref<50x16x256xf32, #tpu.memory_space<vmem>>, vector<50x1x256xf32>
    %swap3A_757 = vector.shape_cast %swap3A_756 : vector<50x1x256xf32> to vector<50x256xf32>
    %swap3A_758 = vector.shape_cast %slice3A_752 : vector<50x256xf32> to vector<50x1x256xf32>
    tpu.vector_store %arg14[%swap3A_753, %swap3A_754, %swap3A_755], %swap3A_758 {strides = array<i32>} : memref<50x16x256xf32, #tpu.memory_space<vmem>>, vector<50x1x256xf32>,
    %slice3A_759 = vector.extract_strided_slice %add3A_660 {offsets = [784, 0], sizes = [50, 256], strides = [1, 1]} : vector<896x256xf32> to vector<50x256xf32>
    %swap3A_760 = arith.constant 0 : index
    %swap3A_761 = arith.constant 14 : index
    %swap3A_762 = arith.constant 0 : index
    %swap3A_763 = vector.load %arg14[%swap3A_760, %swap3A_761, %swap3A_762] : memref<50x16x256xf32, #tpu.memory_space<vmem>>, vector<50x1x256xf32>
    %swap3A_764 = vector.shape_cast %swap3A_763 : vector<50x1x256xf32> to vector<50x256xf32>
    %swap3A_765 = vector.shape_cast %slice3A_759 : vector<50x256xf32> to vector<50x1x256xf32>
    tpu.vector_store %arg14[%swap3A_760, %swap3A_761, %swap3A_762], %swap3A_765 {strides = array<i32>} : memref<50x16x256xf32, #tpu.memory_space<vmem>>, vector<50x1x256xf32>,
    %slice3A_766 = vector.extract_strided_slice %add3A_660 {offsets = [840, 0], sizes = [50, 256], strides = [1, 1]} : vector<896x256xf32> to vector<50x256xf32>
    %swap3A_767 = arith.constant 0 : index
    %swap3A_768 = arith.constant 15 : index
    %swap3A_769 = arith.constant 0 : index
    %swap3A_770 = vector.load %arg14[%swap3A_767, %swap3A_768, %swap3A_769] : memref<50x16x256xf32, #tpu.memory_space<vmem>>, vector<50x1x256xf32>
    %swap3A_771 = vector.shape_cast %swap3A_770 : vector<50x1x256xf32> to vector<50x256xf32>
    %swap3A_772 = vector.shape_cast %slice3A_766 : vector<50x256xf32> to vector<50x1x256xf32>
    tpu.vector_store %arg14[%swap3A_767, %swap3A_768, %swap3A_769], %swap3A_772 {strides = array<i32>} : memref<50x16x256xf32, #tpu.memory_space<vmem>>, vector<50x1x256xf32>,
    return
  }
  func.func @transform_0(%arg0: i32) -> (i32, i32) {
    %c0_i32 = arith.constant 0 : i32
    %c0_i32_0 = arith.constant 0 : i32
    return %arg0, %c0_i32 : i32, i32
  }
  func.func @transform_1(%arg0: i32) -> (i32, i32) {
    %c0_i32 = arith.constant 0 : i32
    %c0_i32_0 = arith.constant 0 : i32
    %c0_i32_1 = arith.constant 0 : i32
    return %c0_i32, %c0_i32_0 : i32, i32
  }
  func.func @transform_2(%arg0: i32) -> (i32, i32, i32) {
    %c0_i32 = arith.constant 0 : i32
    %c0_i32_0 = arith.constant 0 : i32
    %c0_i32_1 = arith.constant 0 : i32
    return %arg0, %c0_i32, %c0_i32_0 : i32, i32, i32
  }
  func.func @transform_3(%arg0: i32) -> (i32, i32) {
    %c0_i32 = arith.constant 0 : i32
    %c0_i32_0 = arith.constant 0 : i32
    %c0_i32_1 = arith.constant 0 : i32
    return %c0_i32, %c0_i32_0 : i32, i32
  }
  func.func @transform_4(%arg0: i32) -> (i32, i32) {
    %c0_i32 = arith.constant 0 : i32
    %c0_i32_0 = arith.constant 0 : i32
    %c0_i32_1 = arith.constant 0 : i32
    return %c0_i32, %c0_i32_0 : i32, i32
  }
  func.func @transform_5(%arg0: i32) -> (i32, i32) {
    %c0_i32 = arith.constant 0 : i32
    %c0_i32_0 = arith.constant 0 : i32
    %c0_i32_1 = arith.constant 0 : i32
    return %c0_i32, %c0_i32_0 : i32, i32
  }
  func.func @transform_6(%arg0: i32) -> (i32, i32) {
    %c0_i32 = arith.constant 0 : i32
    %c0_i32_0 = arith.constant 0 : i32
    %c0_i32_1 = arith.constant 0 : i32
    return %c0_i32, %c0_i32_0 : i32, i32
  }
  func.func @transform_7(%arg0: i32) -> (i32, i32) {
    %c0_i32 = arith.constant 0 : i32
    %c0_i32_0 = arith.constant 0 : i32
    %c0_i32_1 = arith.constant 0 : i32
    return %c0_i32, %c0_i32_0 : i32, i32
  }
  func.func @transform_8(%arg0: i32) -> (i32, i32) {
    %c0_i32 = arith.constant 0 : i32
    %c0_i32_0 = arith.constant 0 : i32
    %c0_i32_1 = arith.constant 0 : i32
    return %c0_i32, %c0_i32_0 : i32, i32
  }
  func.func @transform_9(%arg0: i32) -> (i32, i32) {
    %c0_i32 = arith.constant 0 : i32
    %c0_i32_0 = arith.constant 0 : i32
    %c0_i32_1 = arith.constant 0 : i32
    return %c0_i32, %c0_i32_0 : i32, i32
  }
  func.func @transform_10(%arg0: i32) -> (i32, i32) {
    %c0_i32 = arith.constant 0 : i32
    %c0_i32_0 = arith.constant 0 : i32
    %c0_i32_1 = arith.constant 0 : i32
    return %c0_i32, %c0_i32_0 : i32, i32
  }
  func.func @transform_11(%arg0: i32) -> (i32, i32) {
    %c0_i32 = arith.constant 0 : i32
    %c0_i32_0 = arith.constant 0 : i32
    %c0_i32_1 = arith.constant 0 : i32
    return %c0_i32, %c0_i32_0 : i32, i32
  }
  func.func @transform_12(%arg0: i32) -> (i32, i32) {
    %c0_i32 = arith.constant 0 : i32
    %c0_i32_0 = arith.constant 0 : i32
    %c0_i32_1 = arith.constant 0 : i32
    return %c0_i32, %c0_i32_0 : i32, i32
  }
  func.func @transform_13(%arg0: i32) -> (i32, i32, i32) {
    %c0_i32 = arith.constant 0 : i32
    %c0_i32_0 = arith.constant 0 : i32
    %c0_i32_1 = arith.constant 0 : i32
    return %c0_i32, %arg0, %c0_i32_0 : i32, i32, i32
  }
}

</mosaic_0001>

<sc_bundles>
// kernel: kernel.5.cloned.1.call-start
scs
__scs_entry_jumppad:
0x0: {  	(pc) =	sbr.rel $0x88, $3  }
0x1: {  	(tag) =	ssettag $0x0;
	lr =	simm.s32 $0x1  }
0x2: {  	[smem:$0x3F93] =	sst lr;
	_ =	strace $0xD0000000  }
0x3: {  	_ = 	snop  }
0x4: {  	_ = 	snop  }
0x5: {  	_ = 	snop  }
0x6: {  	_ = 	snop  }
0x7: {  	_ = 	snop  }
__scs_overlays_trampoline_lowered:
0x8: {  	[smem:$0x3FA2] =	sst s0  }
0x9: {  	[smem:$0x3FA3] =	sst s1  }
0xa: {  	[smem:$0x3FA4] =	sst s2  }
0xb: {  	[smem:$0x3FA5] =	sst s3  }
0xc: {  	[smem:$0x3FA6] =	sst s4  }
0xd: {  	[smem:$0x3FA7] =	sst s5  }
0xe: {  	[smem:$0x3FA8] =	sst s6  }
0xf: {  	[smem:$0x3FA9] =	sst s7  }
0x10: {  	[smem:$0x3FAA] =	sst s8  }
0x11: {  	[smem:$0x3FAB] =	sst s9;
	s0 =	simm.s32 @!p0 $0x0  }
0x12: {  	s1 =	sld [smem:$0x3F91];
	s0 =	simm.s32 @p0 $0x1  }
0x13: {  	[smem:$0x3FAC] =	sst s0;
	s0 =	simm.s32 @!p1 $0x0  }
0x14: {  	s2 =	sld [smem:$0x3F90];
	s0 =	simm.s32 @p1 $0x1  }
0x15: {  	[smem:$0x3FAD] =	sst s0;
	s0 =	simm.s32 @!p2 $0x0  }
0x16: {  	s3 =	sld [smem:$0x3FDB];
	s0 =	simm.s32 @p2 $0x1  }
0x17: {  	s4 =	simm.s32 $0x1BF5;
	[smem:$0x3FAF] =	sst s0  }
0x18: {  	s0 =	sld [smem:$0x3F92];
	_ =	swait.ge [sflag:s4], $0x0  }
0x19: {  	s7 =	sld [smem:$0x3F93]  }
0x1a: {  	s8 =	sadd.s32 $0xFFFFE003, lr  }
0x1b: {  	s9 =	sadd.s32 $0xFFFFFEF7, lr;
	s5 =	simm.s32 $0xFFFFFFFF;
	p2 =	slt.u32 s8, $0xFFFFF086  }
0x1c: {  	p1 =	slt.u32 s9, $0xF7A;
	s5 =	simm.s32 @!p2 $0x0  }
0x1d: {  	s5 =	simm.s32 @p1 $0x1;
	p0 =	seq.s32 s7, s2  }
0x1e: {  	s7 =	smul.u32 @!p0 $0xF7A, s2;
	p2 =	seq.s32 @!p0 s5, $0x0  }
0x1f: {  	s9 =	smul.u32 $0xF7A, s1;
	s8 =	simm.s32 @!p0 $0x1BF5;
	p2 =	por !p2, p0  }
0x20: {  	[sflag:s8] =	ssyncset.s32 @!p0 $0xFFFFF086;
	s6 =	sadd.s32 @!p0 s3, s7;
	s7 =	simm.s32 @!p0 $0x108  }
0x21: {  	s3 =	sadd.s32 s3, s9;
	s6 =	sadd.s32 @!p0 $0x88, s6;
	s7 =	simm.s32 @p2 $0x1082  }
0x22: {  	[simem:s7], [sflag:s8] =	dma.local @!p0 [hbm:s6], $0xF7A  }
0x23: {  	s9 =	sor.u32 $0xD0000000, s2;
	s6 =	simm.s32 $0x108;
	_ =	swait.ge @!p0 [sflag:s8], $0x0  }
0x24: {  	s3 =	sadd.s32 $0x88, s3;
	s6 =	simm.s32 @!p1 $0x1082;
	[sflag:s4] =	ssyncset.s32 $0xFFFFF086  }
0x25: {  	[simem:s6], [sflag:s4] =	dma.local [hbm:s3], $0xF7A  }
0x26: {  	[smem:$0x3F93] =	sst s1;
	(tag) =	ssettag s2;
	_ =	strace s9  }
0x27: {  	s1 =	sld [smem:$0x3FA3]  }
0x28: {  	s2 =	sld [smem:$0x3FA4]  }
0x29: {  	s4 =	sld [smem:$0x3FA6]  }
0x2a: {  	p0 =	seq.s32 s5, $0x0;
	s5 =	sld [smem:$0x3FA7]  }
0x2b: {  	s6 =	sld [smem:$0x3FA8]  }
0x2c: {  	s7 =	sld [smem:$0x3FA9]  }
0x2d: {  	s3 =	simm.s32 $0x108;
	s8 =	sld [smem:$0x3FAA]  }
0x2e: {  	s3 =	simm.s32 @!p0 $0x1082;
	s9 =	sld [smem:$0x3FAB]  }
0x2f: {  	lr =	sadd.s32 s0, s3;
	s0 =	sld [smem:$0x3FA2]  }
0x30: {  	s3 =	sld [smem:$0x3FA5]  }
0x31: {  	[smem:$0x3FAE] =	sst s10  }
0x32: {  	s10 =	sld [smem:$0x3FAC];
	_ =	sdelay $0x3  }
0x33: {  	p0 =	seq.s32 s10, $0x1;
	s10 =	sld [smem:$0x3FAE];
	_ =	sdelay $0x3  }
0x34: {  	[smem:$0x3FAE] =	sst s10  }
0x35: {  	s10 =	sld [smem:$0x3FAD];
	_ =	sdelay $0x3  }
0x36: {  	p1 =	seq.s32 s10, $0x1;
	s10 =	sld [smem:$0x3FAE];
	_ =	sdelay $0x3  }
0x37: {  	[smem:$0x3FAE] =	sst s10  }
0x38: {  	s10 =	sld [smem:$0x3FAF]  }
0x39: {  	_ = 	snop;
	(pc) =	sbr.ind lr, $3  }
0x3a: {  	_ = 	snop  }
0x3b: {  	_ = 	snop  }
0x3c: {  	p2 =	seq.s32 s10, $0x1;
	s10 =	sld [smem:$0x3FAE]  }
0x3d: {  	_ =	shalt  }
0x3e: {  	_ =	shalt  }
0x3f: {  	_ =	shalt  }
0x40: {  	_ =	shalt  }
0x41: {  	_ =	shalt  }
0x42: {  	_ =	shalt  }
0x43: {  	_ =	shalt  }
0x44: {  	_ =	shalt  }
0x45: {  	_ =	shalt  }
0x46: {  	_ =	shalt  }
0x47: {  	_ =	shalt  }
0x48: {  	_ =	shalt  }
0x49: {  	_ =	shalt  }
0x4a: {  	_ =	shalt  }
0x4b: {  	_ =	shalt  }
0x4c: {  	_ =	shalt  }
0x4d: {  	_ =	shalt  }
0x4e: {  	_ =	shalt  }
0x4f: {  	_ =	shalt  }
0x50: {  	_ =	shalt  }
0x51: {  	_ =	shalt  }
0x52: {  	_ =	shalt  }
0x53: {  	_ =	shalt  }
0x54: {  	_ =	shalt  }
0x55: {  	_ =	shalt  }
0x56: {  	_ =	shalt  }
0x57: {  	_ =	shalt  }
0x58: {  	_ =	shalt  }
0x59: {  	_ =	shalt  }
0x5a: {  	_ =	shalt  }
0x5b: {  	_ =	shalt  }
0x5c: {  	_ =	shalt  }
0x5d: {  	_ =	shalt  }
0x5e: {  	_ =	shalt  }
0x5f: {  	_ =	shalt  }
0x60: {  	_ =	shalt  }
0x61: {  	_ =	shalt  }
0x62: {  	_ =	shalt  }
0x63: {  	_ =	shalt  }
0x64: {  	_ =	shalt  }
0x65: {  	_ =	shalt  }
0x66: {  	_ =	shalt  }
0x67: {  	_ =	shalt  }
0x68: {  	_ =	shalt  }
0x69: {  	_ =	shalt  }
0x6a: {  	_ =	shalt  }
0x6b: {  	_ =	shalt  }
0x6c: {  	_ =	shalt  }
0x6d: {  	_ =	shalt  }
0x6e: {  	_ =	shalt  }
0x6f: {  	_ =	shalt  }
0x70: {  	_ =	shalt  }
0x71: {  	_ =	shalt  }
0x72: {  	_ =	shalt  }
0x73: {  	_ =	shalt  }
0x74: {  	_ =	shalt  }
0x75: {  	_ =	shalt  }
0x76: {  	_ =	shalt  }
0x77: {  	_ =	shalt  }
0x78: {  	_ =	shalt  }
0x79: {  	_ =	shalt  }
0x7a: {  	_ =	shalt  }
0x7b: {  	_ =	shalt  }
0x7c: {  	_ =	shalt  }
0x7d: {  	_ =	shalt  }
0x7e: {  	_ =	shalt  }
0x7f: {  	_ =	shalt  }
0x80: {  	_ =	shalt  }
0x81: {  	_ =	shalt  }
0x82: {  	_ =	shalt  }
0x83: {  	_ =	shalt  }
0x84: {  	_ =	shalt  }
0x85: {  	_ =	shalt  }
0x86: {  	_ =	shalt  }
0x87: {  	_ =	shalt  }
.Lfunc_end0:
.L_simem_size_0:
called_computation_lowered:
.L_overlay_start_0:
0x88: {  	s2 =	sld [smem:$0x3FD9]  }
0x89: {  	s3 =	sld [smem:$0x3FFE];
	_ =	sdelay $0x1  }
0x8a: {  	s1 =	srdreg.scid  }
0x8b: {  	s0 =	sand.u32 $0x1, s1  }
0x8c: {  	s17 =	sshll.u32 s0, $0xA;
	s2 =	sadd.s32 s3, s2  }
0x8d: {  	s2 =	sadd.s32 s2, s17  }
0x8e: {  	[smem:$0x3FBA] =	sst s2  }
0x8f: {  	_ = 	snop  }
0x90: {  	s2 =	sld [smem:$0x3FC7]  }
0x91: {  	s18 =	sld [smem:$0x3FD0];
	(tm) =	ssettm $0x1  }
0x92: {  	s4 =	sld [smem:$0x3FFB];
	_ =	sdelay $0x3  }
0x93: {  	_ =	strace s4  }
0x94: {  	s4 =	sld [smem:$0x3FFC];
	_ =	sdelay $0x3  }
0x95: {  	_ =	strace s4  }
0x96: {  	s4 =	sld [smem:$0x3FFD];
	_ =	sdelay $0x3  }
0x97: {  	_ =	strace s4  }
0x98: {  	_ =	strace $0x8FFFFFFF  }
0x99: {  	s19 =	sld [smem:$0x3FDB];
	_ =	sdelay $0x1  }
0x9a: {  	s5 =	simm.s32 $_scs_section_size  }
0x9b: {  	s6 =	simm.s32 $_size__tile_overlayer_lowered;
	s7 =	simm.s32 $_tile_overlayer_lowered  }
0x9c: {  	s22 =	simm.s32 $0x1BFF;
	s21 =	sshll.u32 s7, $0x1;
	s4 =	sadd.s32 s5, s19  }
0x9d: {  	s8 =	simm.s32 $0x0;
	s20 =	sshll.u32 s6, $0x1;
	s6 =	sadd.s32 s21, s4  }
0x9e: {  	[timem:s8], [sflag:s22] =	dma.local [hbm:s6], s20  }
0x9f: {  	_ =	swait.ge [sflag:s22], s20  }
0xa0: {  	s5 =	ssub.s32 $0x0, s20;
	[sflag:s22] =	ssyncset.done $0x0  }
0xa1: {  	[sflag:s22] =	ssyncadd.s32 s5;
	_ =	sdelay $0x1  }
0xa2: {  	s23 =	simm.s32 $0x1B8B  }
0xa3: {  	_ =	swait.ge [sflag:s23], $0x1  }
0xa4: {  	[sflag:s23] =	ssyncset.done $0x0  }
0xa5: {  	s25 =	simm.s32 $0x1B8E;
	s24 =	sld [smem:$0x3FFE];
	[sflag:s23] =	ssyncadd.s32 $0xFFFFFFFF  }
0xa6: {  	s26 =	simm.s32 $execute0_lowered;
	[smem:$0x3FD2] =	sst s25  }
0xa7: {  	s6 =	sshll.u32 s26, $0x1;
	_ =	strace $0x80000046;
	[dreg:$0x1] =	wrdreg $0xFFFFFFFF  }
0xa8: {  	s28 =	simm.s32 $_size_execute0_lowered;
	s4 =	sadd.s32 s4, s6;
	[dreg:$0x0] =	wrdreg $0x0  }
0xa9: {  	s6 =	sshll.u32 s28, $0x1;
	[dreg:$0x2] =	wrdreg s4  }
0xaa: {  	[dreg:$0x3] =	wrdreg s6  }
0xab: {  	[dreg:$0x4] =	wrdreg $0xC0  }
0xac: {  	_ =	task [dreg:s8], $0x5FFFF  }
0xad: {  	[dreg:$0x1] =	wrdreg $0xFFFFFFFF  }
0xae: {  	[dreg:$0x0] =	wrdreg $0x60  }
0xaf: {  	[dreg:$0x2] =	wrdreg s18  }
0xb0: {  	[dreg:$0x3] =	wrdreg s2  }
0xb1: {  	[dreg:$0x4] =	wrdreg s24  }
0xb2: {  	[dreg:$0x5] =	wrdreg $0x9  }
0xb3: {  	_ =	task.clear_ibuf [dreg:s8], $0x6FFFF;
	_ =	strace $0x90000046  }
0xb4: {  	s29 =	simm.s32 $0x9;
	_ =	strace $0x80000048  }
0xb5: {  	_ =	swait.ge [sflag:s29], $0x1  }
0xb6: {  	[sflag:s29] =	ssyncadd.s32 $0xFFFFFFFF  }
0xb7: {  	_ =	strace $0x90000048  }
0xb8: {  	_ =	sfence  }
0xb9: {  	s30 =	sld [smem:$0x0];
	_ =	sdelay $0x2  }
0xba: {  	s31 =	sshll.u32 s1, $0xD;
	s1 =	sshrl.u32 s1, $0x2  }
0xbb: {  	s3 =	sand.u32 $0x4000, s31;
	s1 =	sadd.s32 s1, s30  }
0xbc: {  	s0 =	sor.u32 s3, s0;
	s1 =	sshll.u32 s1, $0x11  }
0xbd: {  	s0 =	sor.u32 s1, s0  }
0xbe: {  	s0 =	sadd.s32 $0x8F2B, s0  }
0xbf: {  	[sflag:s0] =	ssyncadd.remote.s32 $0x1  }
0xc0: {  	_ =	sfence.sel $0xFFFF  }
0xc1: {  	[dreg:$0x0] =	wrdreg $0xFFFFFFFF;
	(pc) =	sbr.abs _section_cstart, $3  }
0xc2: {  	[dreg:$0x1] =	wrdreg $0xFFFFFFFF  }
0xc3: {  	_ =	task.clear_ibuf [dreg:s8], $0x2FFFF;
	_ =	strace $0x9FFFFFFF  }
0xc4: {  	(tm) =	ssettm $0x7FFFFFFF  }
0xc5: {  	_ =	shalt  }
tec
execute0_lowered:
.L_overlay_start_1:
0x0: {  	(tag) =	ssettag $0x1  }
0x1: {  	s0 =	rddreg [dreg:$0x0]  }
0x2: {  	s5 =	rddreg [dreg:$0x1]  }
0x3: {  	s1 =	srdreg.scid;
	s2 =	stileid.u32  }
0x4: {  	s3 =	rddreg [dreg:$0x2];
	s23 =	simm.s32 $0x3;
	s22 =	simm.s32 $0x70  }
0x5: {  	s21 =	simm.s32 $0x400;
	s24 =	simm.s32 $0x80;
	s20 =	simm.s32 $0x3C00  }
0x6: {  	s25 =	simm.s32 $0x100;
	s19 =	simm.s32 $0x7400;
	s26 =	simm.s32 $0x180  }
0x7: {  	s18 =	simm.s32 $0xAC00;
	s28 =	simm.s32 $0x200;
	s17 =	simm.s32 $0xE400  }
0x8: {  	s29 =	simm.s32 $0x280;
	p0 =	por $0x0, $0x0;
	s30 =	simm.s32 $0x300  }
0x9: {  	s31 =	simm.s32 $0x380;
	s13 =	simm.s32 $0x18C00;
	s1 =	sand.u32 $0x1, s1  }
0xa: {  	s4 =	sshll.u32 s2, $0x1;
	s2 =	simm.s32 $0x0;
	s3 =	sadd.s32 $0x2800, s3  }
0xb: {  	s4 =	sor.u32 s1, s4;
	[smem:$0x7FF] =	sst s2;
	s1 =	ssub.s32 $0x2, s1  }
0xc: {  	s6 =	smul.u32 $0x3800, s4;
	_ =	strace $0x80000047;
	s7 =	sshrl.u32 s1, $0x1  }
0xd: {  	s8 =	smul.u32 $0x1C000, s4;
	s4 =	sshll.u32 s4, $0x7;
	s1 =	ssub.s32 s1, s7  }
0xe: {  	s0 =	sadd.s32 s0, s4;
	s12 =	sadd.s32 s3, s6;
	s16 =	smax.u32 s1, $0x1  }
0xf: {  	s14 =	sshrl.u32 s8, $0x3;
	[dreg:$0x4] =	wrdreg s0;
	p1 =	sne.s32 s16, $0x1  }
.Ltmp0:
0x10: {  	s11 =	sadd.s32 $0x700, s12;
	s15 =	sadd.s32 s3, s14;
	(pc) =	sbr.rel @!p1 .LBB2_3-.Ltmp0, $4  }
0x11: {  	s14 =	simm.s32 $0x11C00;
	s1 =	sadd.s32 $0xFFFFFFFF, s16;
	s16 =	simm.s32 $0x1  }
0x12: {  	s3 =	simm.s32 $0x2;
	s0 =	rddreg [dreg:$0x4];
	s10 =	sadd.s32 $0xE00, s15  }
0x13: {  	s9 =	sadd.s32 $0x1500, s15;
	s8 =	sadd.s32 $0x1C00, s15;
	s7 =	sadd.s32 $0x2300, s15  }
0x14: {  	s6 =	sadd.s32 $0x2A00, s15;
	s4 =	sadd.s32 $0x3100, s15;
	s15 =	simm.s32 $0x15400  }
0x15: {  	[tilespmem:s2], [sflag:$0x3] =	stream.linear.gather [hbm4b:s0+s2], $0x400, $0x38;
	[tilespmem:$0x1C400] =	vst v63  }
0x16: {  	_ =	swait.ge [sflag:s23], $0x400  }
0x17: {  	[sflag:s23] =	ssyncset.done $0x0  }
0x18: {  	[sflag:s23] =	ssyncadd.s32 $0xFFFFFC00  }
0x19: {  	[tilespmem:s21], [sflag:$0x1] =	stream.indirect.gather [hbm4b:s5+s22], $0x80, s2, s22, $0xb8;
	[tilespmem:$0x1C400] =	vst v63  }
0x1a: {  	_ = 	snop  }
0x1b: {  	[tilespmem:s20], [sflag:$0x1] =	stream.indirect.gather [hbm4b:s5+s22], $0x80, s24, s22, $0xb8;
	[tilespmem:$0x1C400] =	vst v63  }
0x1c: {  	_ = 	snop  }
0x1d: {  	[tilespmem:s19], [sflag:$0x1] =	stream.indirect.gather [hbm4b:s5+s22], $0x80, s25, s22, $0xb8;
	[tilespmem:$0x1C400] =	vst v63  }
0x1e: {  	_ = 	snop  }
0x1f: {  	[tilespmem:s18], [sflag:$0x1] =	stream.indirect.gather [hbm4b:s5+s22], $0x80, s26, s22, $0xb8;
	[tilespmem:$0x1C400] =	vst v63  }
0x20: {  	_ = 	snop  }
0x21: {  	[tilespmem:s17], [sflag:$0x1] =	stream.indirect.gather [hbm4b:s5+s22], $0x80, s28, s22, $0xb8;
	[tilespmem:$0x1C400] =	vst v63  }
0x22: {  	_ = 	snop  }
0x23: {  	[tilespmem:s14], [sflag:$0x1] =	stream.indirect.gather [hbm4b:s5+s22], $0x80, s29, s22, $0xb8;
	[tilespmem:$0x1C400] =	vst v63  }
0x24: {  	_ = 	snop  }
0x25: {  	[tilespmem:s15], [sflag:$0x1] =	stream.indirect.gather [hbm4b:s5+s22], $0x80, s30, s22, $0xb8;
	[tilespmem:$0x1C400] =	vst v63  }
0x26: {  	_ = 	snop  }
0x27: {  	[tilespmem:s13], [sflag:$0x1] =	stream.indirect.gather [hbm4b:s5+s22], $0x80, s31, s22, $0xb8;
	[tilespmem:$0x1C400] =	vst v63  }
0x28: {  	_ =	swait.ge [sflag:s16], $0x3800  }
0x29: {  	[sflag:s16] =	ssyncset.done $0x0  }
0x2a: {  	[sflag:s16] =	ssyncadd.s32 $0xFFFFC800  }
0x2b: {  	[hbm4b:s12+s2] =	stream.linear.scatter [tilespmem:s21], [sflag:$0x2], $0x3800, $0x38;
	[tilespmem:$0x1C400] =	vst v63  }
0x2c: {  	_ =	swait.ge [sflag:s16], $0x3800  }
0x2d: {  	[sflag:s16] =	ssyncset.done $0x0  }
0x2e: {  	[sflag:s16] =	ssyncadd.s32 $0xFFFFC800  }
0x2f: {  	[hbm4b:s11+s2] =	stream.linear.scatter [tilespmem:s20], [sflag:$0x2], $0x3800, $0x38;
	[tilespmem:$0x1C400] =	vst v63  }
0x30: {  	_ =	swait.ge [sflag:s16], $0x3800  }
0x31: {  	[sflag:s16] =	ssyncset.done $0x0  }
0x32: {  	[sflag:s16] =	ssyncadd.s32 $0xFFFFC800  }
0x33: {  	[hbm4b:s10+s2] =	stream.linear.scatter [tilespmem:s19], [sflag:$0x2], $0x3800, $0x38;
	[tilespmem:$0x1C400] =	vst v63  }
0x34: {  	_ =	swait.ge [sflag:s16], $0x3800  }
0x35: {  	[sflag:s16] =	ssyncset.done $0x0  }
0x36: {  	[sflag:s16] =	ssyncadd.s32 $0xFFFFC800  }
0x37: {  	[hbm4b:s9+s2] =	stream.linear.scatter [tilespmem:s18], [sflag:$0x2], $0x3800, $0x38;
	[tilespmem:$0x1C400] =	vst v63  }
0x38: {  	_ =	swait.ge [sflag:s16], $0x3800  }
0x39: {  	[sflag:s16] =	ssyncset.done $0x0  }
0x3a: {  	[sflag:s16] =	ssyncadd.s32 $0xFFFFC800  }
0x3b: {  	[hbm4b:s8+s2] =	stream.linear.scatter [tilespmem:s17], [sflag:$0x2], $0x3800, $0x38;
	[tilespmem:$0x1C400] =	vst v63  }
0x3c: {  	_ =	swait.ge [sflag:s16], $0x3800  }
0x3d: {  	[sflag:s16] =	ssyncset.done $0x0  }
0x3e: {  	[sflag:s16] =	ssyncadd.s32 $0xFFFFC800  }
0x3f: {  	[hbm4b:s7+s2] =	stream.linear.scatter [tilespmem:s14], [sflag:$0x2], $0x3800, $0x38;
	[tilespmem:$0x1C400] =	vst v63  }
0x40: {  	_ =	swait.ge [sflag:s16], $0x3800  }
0x41: {  	[sflag:s16] =	ssyncset.done $0x0  }
0x42: {  	[sflag:s16] =	ssyncadd.s32 $0xFFFFC800  }
0x43: {  	[hbm4b:s6+s2] =	stream.linear.scatter [tilespmem:s15], [sflag:$0x2], $0x3800, $0x38;
	[tilespmem:$0x1C400] =	vst v63  }
0x44: {  	_ =	swait.ge [sflag:s16], $0x3800  }
0x45: {  	[sflag:s16] =	ssyncset.done $0x0  }
0x46: {  	[sflag:s16] =	ssyncadd.s32 $0xFFFFC800  }
0x47: {  	[hbm4b:s4+s2] =	stream.linear.scatter [tilespmem:s13], [sflag:$0x2], $0x3800, $0x38;
	[tilespmem:$0x1C400] =	vst v63  }
0x48: {  	_ =	swait.ge [sflag:s3], $0x3800  }
0x49: {  	[sflag:s3] =	ssyncset.done $0x0  }
0x4a: {  	[sflag:s3] =	ssyncadd.s32 $0xFFFFC800  }
0x4b: {  	_ =	swait.ge [sflag:s3], $0x3800  }
0x4c: {  	[sflag:s3] =	ssyncset.done $0x0  }
0x4d: {  	[sflag:s3] =	ssyncadd.s32 $0xFFFFC800  }
0x4e: {  	_ =	swait.ge [sflag:s3], $0x3800  }
0x4f: {  	[sflag:s3] =	ssyncset.done $0x0  }
0x50: {  	[sflag:s3] =	ssyncadd.s32 $0xFFFFC800  }
0x51: {  	_ =	swait.ge [sflag:s3], $0x3800  }
0x52: {  	[sflag:s3] =	ssyncset.done $0x0  }
0x53: {  	[sflag:s3] =	ssyncadd.s32 $0xFFFFC800  }
0x54: {  	_ =	swait.ge [sflag:s3], $0x3800  }
0x55: {  	[sflag:s3] =	ssyncset.done $0x0  }
0x56: {  	[sflag:s3] =	ssyncadd.s32 $0xFFFFC800  }
0x57: {  	_ =	swait.ge [sflag:s3], $0x3800  }
0x58: {  	[sflag:s3] =	ssyncset.done $0x0  }
0x59: {  	p1 =	sne.s32 s1, $0x1;
	[sflag:s3] =	ssyncadd.s32 $0xFFFFC800  }
.Ltmp1:
0x5a: {  	_ =	swait.ge [sflag:s3], $0x3800;
	(pc) =	sbr.rel @!p1 .LBB2_3-.Ltmp1, $4  }
0x5b: {  	[sflag:s3] =	ssyncset.done $0x0  }
0x5c: {  	[sflag:s3] =	ssyncadd.s32 $0xFFFFC800  }
0x5d: {  	s1 =	sadd.s32 $0xFFFFFFFF, s1;
	_ =	swait.ge [sflag:s3], $0x3800  }
0x5e: {  	p0 =	por $0x1, $0x1;
	s0 =	rddreg [dreg:$0x4];
	[sflag:s3] =	ssyncset.done $0x0  }
.LBB2_2:
0x5f: {  	[sflag:s3] =	ssyncadd.s32 $0xFFFFC800  }
0x60: {  	[tilespmem:s2], [sflag:$0x3] =	stream.linear.gather [hbm4b:s0+s2], $0x400, $0x38;
	[tilespmem:$0x1C400] =	vst v63  }
0x61: {  	_ =	swait.ge [sflag:s23], $0x400  }
0x62: {  	[sflag:s23] =	ssyncset.done $0x0  }
0x63: {  	[sflag:s23] =	ssyncadd.s32 $0xFFFFFC00  }
0x64: {  	[tilespmem:s21], [sflag:$0x1] =	stream.indirect.gather [hbm4b:s5+s22], $0x80, s2, s22, $0xb8;
	[tilespmem:$0x1C400] =	vst v63  }
0x65: {  	_ = 	snop  }
0x66: {  	[tilespmem:s20], [sflag:$0x1] =	stream.indirect.gather [hbm4b:s5+s22], $0x80, s24, s22, $0xb8;
	[tilespmem:$0x1C400] =	vst v63  }
0x67: {  	_ = 	snop  }
0x68: {  	[tilespmem:s19], [sflag:$0x1] =	stream.indirect.gather [hbm4b:s5+s22], $0x80, s25, s22, $0xb8;
	[tilespmem:$0x1C400] =	vst v63  }
0x69: {  	_ = 	snop  }
0x6a: {  	[tilespmem:s18], [sflag:$0x1] =	stream.indirect.gather [hbm4b:s5+s22], $0x80, s26, s22, $0xb8;
	[tilespmem:$0x1C400] =	vst v63  }
0x6b: {  	_ = 	snop  }
0x6c: {  	[tilespmem:s17], [sflag:$0x1] =	stream.indirect.gather [hbm4b:s5+s22], $0x80, s28, s22, $0xb8;
	[tilespmem:$0x1C400] =	vst v63  }
0x6d: {  	_ = 	snop  }
0x6e: {  	[tilespmem:s14], [sflag:$0x1] =	stream.indirect.gather [hbm4b:s5+s22], $0x80, s29, s22, $0xb8;
	[tilespmem:$0x1C400] =	vst v63  }
0x6f: {  	_ = 	snop  }
0x70: {  	[tilespmem:s15], [sflag:$0x1] =	stream.indirect.gather [hbm4b:s5+s22], $0x80, s30, s22, $0xb8;
	[tilespmem:$0x1C400] =	vst v63  }
0x71: {  	_ = 	snop  }
0x72: {  	[tilespmem:s13], [sflag:$0x1] =	stream.indirect.gather [hbm4b:s5+s22], $0x80, s31, s22, $0xb8;
	[tilespmem:$0x1C400] =	vst v63  }
0x73: {  	_ =	swait.ge [sflag:s16], $0x3800  }
0x74: {  	[sflag:s16] =	ssyncset.done $0x0  }
0x75: {  	[sflag:s16] =	ssyncadd.s32 $0xFFFFC800  }
0x76: {  	[hbm4b:s12+s2] =	stream.linear.scatter [tilespmem:s21], [sflag:$0x2], $0x3800, $0x38;
	[tilespmem:$0x1C400] =	vst v63  }
0x77: {  	_ =	swait.ge [sflag:s16], $0x3800  }
0x78: {  	[sflag:s16] =	ssyncset.done $0x0  }
0x79: {  	[sflag:s16] =	ssyncadd.s32 $0xFFFFC800  }
0x7a: {  	[hbm4b:s11+s2] =	stream.linear.scatter [tilespmem:s20], [sflag:$0x2], $0x3800, $0x38;
	[tilespmem:$0x1C400] =	vst v63  }
0x7b: {  	_ =	swait.ge [sflag:s16], $0x3800  }
0x7c: {  	[sflag:s16] =	ssyncset.done $0x0  }
0x7d: {  	[sflag:s16] =	ssyncadd.s32 $0xFFFFC800  }
0x7e: {  	[hbm4b:s10+s2] =	stream.linear.scatter [tilespmem:s19], [sflag:$0x2], $0x3800, $0x38;
	[tilespmem:$0x1C400] =	vst v63  }
0x7f: {  	_ =	swait.ge [sflag:s16], $0x3800  }
0x80: {  	[sflag:s16] =	ssyncset.done $0x0  }
0x81: {  	[sflag:s16] =	ssyncadd.s32 $0xFFFFC800  }
0x82: {  	[hbm4b:s9+s2] =	stream.linear.scatter [tilespmem:s18], [sflag:$0x2], $0x3800, $0x38;
	[tilespmem:$0x1C400] =	vst v63  }
0x83: {  	_ =	swait.ge [sflag:s16], $0x3800  }
0x84: {  	[sflag:s16] =	ssyncset.done $0x0  }
0x85: {  	[sflag:s16] =	ssyncadd.s32 $0xFFFFC800  }
0x86: {  	[hbm4b:s8+s2] =	stream.linear.scatter [tilespmem:s17], [sflag:$0x2], $0x3800, $0x38;
	[tilespmem:$0x1C400] =	vst v63  }
0x87: {  	_ =	swait.ge [sflag:s16], $0x3800  }
0x88: {  	[sflag:s16] =	ssyncset.done $0x0  }
0x89: {  	[sflag:s16] =	ssyncadd.s32 $0xFFFFC800  }
0x8a: {  	[hbm4b:s7+s2] =	stream.linear.scatter [tilespmem:s14], [sflag:$0x2], $0x3800, $0x38;
	[tilespmem:$0x1C400] =	vst v63  }
0x8b: {  	_ =	swait.ge [sflag:s16], $0x3800  }
0x8c: {  	[sflag:s16] =	ssyncset.done $0x0  }
0x8d: {  	[sflag:s16] =	ssyncadd.s32 $0xFFFFC800  }
0x8e: {  	[hbm4b:s6+s2] =	stream.linear.scatter [tilespmem:s15], [sflag:$0x2], $0x3800, $0x38;
	[tilespmem:$0x1C400] =	vst v63  }
0x8f: {  	_ =	swait.ge [sflag:s16], $0x3800  }
0x90: {  	[sflag:s16] =	ssyncset.done $0x0  }
0x91: {  	[sflag:s16] =	ssyncadd.s32 $0xFFFFC800  }
0x92: {  	[hbm4b:s4+s2] =	stream.linear.scatter [tilespmem:s13], [sflag:$0x2], $0x3800, $0x38;
	[tilespmem:$0x1C400] =	vst v63  }
0x93: {  	_ =	swait.ge [sflag:s3], $0x3800  }
0x94: {  	[sflag:s3] =	ssyncset.done $0x0  }
0x95: {  	[sflag:s3] =	ssyncadd.s32 $0xFFFFC800  }
0x96: {  	_ =	swait.ge [sflag:s3], $0x3800  }
0x97: {  	[sflag:s3] =	ssyncset.done $0x0  }
0x98: {  	[sflag:s3] =	ssyncadd.s32 $0xFFFFC800  }
0x99: {  	_ =	swait.ge [sflag:s3], $0x3800  }
0x9a: {  	[sflag:s3] =	ssyncset.done $0x0  }
0x9b: {  	[sflag:s3] =	ssyncadd.s32 $0xFFFFC800  }
0x9c: {  	_ =	swait.ge [sflag:s3], $0x3800  }
0x9d: {  	[sflag:s3] =	ssyncset.done $0x0  }
0x9e: {  	[sflag:s3] =	ssyncadd.s32 $0xFFFFC800  }
0x9f: {  	_ =	swait.ge [sflag:s3], $0x3800  }
0xa0: {  	[sflag:s3] =	ssyncset.done $0x0  }
0xa1: {  	[sflag:s3] =	ssyncadd.s32 $0xFFFFC800  }
0xa2: {  	_ =	swait.ge [sflag:s3], $0x3800  }
0xa3: {  	[sflag:s3] =	ssyncset.done $0x0  }
0xa4: {  	p1 =	sne.s32 s1, $0x1;
	[sflag:s3] =	ssyncadd.s32 $0xFFFFC800  }
.Ltmp2:
0xa5: {  	_ =	swait.ge [sflag:s3], $0x3800;
	(pc) =	sbr.rel @p1 .LBB2_2-.Ltmp2, $4  }
0xa6: {  	[sflag:s3] =	ssyncset.done $0x0  }
0xa7: {  	[sflag:s3] =	ssyncadd.s32 $0xFFFFC800  }
0xa8: {  	_ =	swait.ge [sflag:s3], $0x3800  }
0xa9: {  	s1 =	sadd.s32 $0xFFFFFFFF, s1;
	s0 =	rddreg [dreg:$0x4];
	[sflag:s3] =	ssyncset.done $0x0  }
.LBB2_3:
0xaa: {  	[sflag:s3] =	ssyncadd.s32 @p0 $0xFFFFC800  }
0xab: {  	[tilespmem:s2], [sflag:$0x3] =	stream.linear.gather [hbm4b:s0+s2], $0x400, $0x38;
	[tilespmem:$0x1C400] =	vst v63  }
0xac: {  	_ =	swait.ge [sflag:s23], $0x400  }
0xad: {  	[sflag:s23] =	ssyncset.done $0x0  }
0xae: {  	[sflag:s23] =	ssyncadd.s32 $0xFFFFFC00  }
0xaf: {  	[tilespmem:s21], [sflag:$0x1] =	stream.indirect.gather [hbm4b:s5+s22], $0x80, s2, s22, $0xb8;
	[tilespmem:$0x1C400] =	vst v63  }
0xb0: {  	_ = 	snop  }
0xb1: {  	[tilespmem:s20], [sflag:$0x1] =	stream.indirect.gather [hbm4b:s5+s22], $0x80, s24, s22, $0xb8;
	[tilespmem:$0x1C400] =	vst v63  }
0xb2: {  	_ = 	snop  }
0xb3: {  	[tilespmem:s19], [sflag:$0x1] =	stream.indirect.gather [hbm4b:s5+s22], $0x80, s25, s22, $0xb8;
	[tilespmem:$0x1C400] =	vst v63  }
0xb4: {  	_ = 	snop  }
0xb5: {  	[tilespmem:s18], [sflag:$0x1] =	stream.indirect.gather [hbm4b:s5+s22], $0x80, s26, s22, $0xb8;
	[tilespmem:$0x1C400] =	vst v63  }
0xb6: {  	_ = 	snop  }
0xb7: {  	[tilespmem:s17], [sflag:$0x1] =	stream.indirect.gather [hbm4b:s5+s22], $0x80, s28, s22, $0xb8;
	[tilespmem:$0x1C400] =	vst v63  }
0xb8: {  	_ = 	snop  }
0xb9: {  	[tilespmem:s14], [sflag:$0x1] =	stream.indirect.gather [hbm4b:s5+s22], $0x80, s29, s22, $0xb8;
	[tilespmem:$0x1C400] =	vst v63  }
0xba: {  	_ = 	snop  }
0xbb: {  	[tilespmem:s15], [sflag:$0x1] =	stream.indirect.gather [hbm4b:s5+s22], $0x80, s30, s22, $0xb8;
	[tilespmem:$0x1C400] =	vst v63  }
0xbc: {  	_ = 	snop  }
0xbd: {  	[tilespmem:s13], [sflag:$0x1] =	stream.indirect.gather [hbm4b:s5+s22], $0x80, s31, s22, $0xb8;
	[tilespmem:$0x1C400] =	vst v63  }
0xbe: {  	_ =	swait.ge [sflag:s16], $0x3800  }
0xbf: {  	[sflag:s16] =	ssyncset.done $0x0  }
0xc0: {  	[sflag:s16] =	ssyncadd.s32 $0xFFFFC800  }
0xc1: {  	[hbm4b:s12+s2] =	stream.linear.scatter [tilespmem:s21], [sflag:$0x2], $0x3800, $0x38;
	[tilespmem:$0x1C400] =	vst v63  }
0xc2: {  	_ =	swait.ge [sflag:s16], $0x3800  }
0xc3: {  	[sflag:s16] =	ssyncset.done $0x0  }
0xc4: {  	[sflag:s16] =	ssyncadd.s32 $0xFFFFC800  }
0xc5: {  	[hbm4b:s11+s2] =	stream.linear.scatter [tilespmem:s20], [sflag:$0x2], $0x3800, $0x38;
	[tilespmem:$0x1C400] =	vst v63  }
0xc6: {  	_ =	swait.ge [sflag:s16], $0x3800  }
0xc7: {  	[sflag:s16] =	ssyncset.done $0x0  }
0xc8: {  	[sflag:s16] =	ssyncadd.s32 $0xFFFFC800  }
0xc9: {  	[hbm4b:s10+s2] =	stream.linear.scatter [tilespmem:s19], [sflag:$0x2], $0x3800, $0x38;
	[tilespmem:$0x1C400] =	vst v63  }
0xca: {  	_ =	swait.ge [sflag:s16], $0x3800  }
0xcb: {  	[sflag:s16] =	ssyncset.done $0x0  }
0xcc: {  	[sflag:s16] =	ssyncadd.s32 $0xFFFFC800  }
0xcd: {  	[hbm4b:s9+s2] =	stream.linear.scatter [tilespmem:s18], [sflag:$0x2], $0x3800, $0x38;
	[tilespmem:$0x1C400] =	vst v63  }
0xce: {  	_ =	swait.ge [sflag:s16], $0x3800  }
0xcf: {  	[sflag:s16] =	ssyncset.done $0x0  }
0xd0: {  	[sflag:s16] =	ssyncadd.s32 $0xFFFFC800  }
0xd1: {  	[hbm4b:s8+s2] =	stream.linear.scatter [tilespmem:s17], [sflag:$0x2], $0x3800, $0x38;
	[tilespmem:$0x1C400] =	vst v63  }
0xd2: {  	_ =	swait.ge [sflag:s16], $0x3800  }
0xd3: {  	[sflag:s16] =	ssyncset.done $0x0  }
0xd4: {  	[sflag:s16] =	ssyncadd.s32 $0xFFFFC800  }
0xd5: {  	[hbm4b:s7+s2] =	stream.linear.scatter [tilespmem:s14], [sflag:$0x2], $0x3800, $0x38;
	[tilespmem:$0x1C400] =	vst v63  }
0xd6: {  	_ =	swait.ge [sflag:s16], $0x3800  }
0xd7: {  	[sflag:s16] =	ssyncset.done $0x0  }
0xd8: {  	[sflag:s16] =	ssyncadd.s32 $0xFFFFC800  }
0xd9: {  	[hbm4b:s6+s2] =	stream.linear.scatter [tilespmem:s15], [sflag:$0x2], $0x3800, $0x38;
	[tilespmem:$0x1C400] =	vst v63  }
0xda: {  	_ =	swait.ge [sflag:s16], $0x3800  }
0xdb: {  	[sflag:s16] =	ssyncset.done $0x0  }
0xdc: {  	[sflag:s16] =	ssyncadd.s32 $0xFFFFC800  }
0xdd: {  	[hbm4b:s4+s2] =	stream.linear.scatter [tilespmem:s13], [sflag:$0x2], $0x3800, $0x38;
	[tilespmem:$0x1C400] =	vst v63  }
0xde: {  	_ =	swait.ge [sflag:s3], $0x3800  }
0xdf: {  	[sflag:s3] =	ssyncset.done $0x0  }
0xe0: {  	[sflag:s3] =	ssyncadd.s32 $0xFFFFC800  }
0xe1: {  	_ =	swait.ge [sflag:s3], $0x3800  }
0xe2: {  	[sflag:s3] =	ssyncset.done $0x0  }
0xe3: {  	[sflag:s3] =	ssyncadd.s32 $0xFFFFC800  }
0xe4: {  	_ =	swait.ge [sflag:s3], $0x3800  }
0xe5: {  	[sflag:s3] =	ssyncset.done $0x0  }
0xe6: {  	[sflag:s3] =	ssyncadd.s32 $0xFFFFC800  }
0xe7: {  	_ =	swait.ge [sflag:s3], $0x3800  }
0xe8: {  	[sflag:s3] =	ssyncset.done $0x0  }
0xe9: {  	[sflag:s3] =	ssyncadd.s32 $0xFFFFC800  }
0xea: {  	_ =	swait.ge [sflag:s3], $0x3800  }
0xeb: {  	[sflag:s3] =	ssyncset.done $0x0  }
0xec: {  	[sflag:s3] =	ssyncadd.s32 $0xFFFFC800  }
0xed: {  	_ =	swait.ge [sflag:s3], $0x3800  }
0xee: {  	[sflag:s3] =	ssyncset.done $0x0  }
0xef: {  	[sflag:s3] =	ssyncadd.s32 $0xFFFFC800  }
0xf0: {  	_ =	swait.ge [sflag:s3], $0x3800  }
0xf1: {  	[sflag:s3] =	ssyncset.done $0x0  }
0xf2: {  	[sflag:s3] =	ssyncadd.s32 $0xFFFFC800  }
0xf3: {  	_ =	swait.ge [sflag:s3], $0x3800  }
0xf4: {  	[sflag:s3] =	ssyncset.done $0x0  }
0xf5: {  	[sflag:s3] =	ssyncadd.s32 $0xFFFFC800  }
0xf6: {  	_ =	sfence.sel $0x180000  }
0xf7: {  	[bflag:$0x0] =	sbarrier.arrive $0xFFFF  }
0xf8: {  	_ =	strace $0x90000047  }
0xf9: {  	s31 =	stileid.u32;
	[bflag:$0x2] =	sbarrier.arrive $0xFFFF  }
0xfa: {  	p0 =	sne.s32 s31, $0x0;
	s0 =	rddreg [dreg:$0x3]  }
0xfb: {  	s0 =	sadd.s32 @!p0 $0x100000, s0  }
0xfc: {  	[sflag:s0] =	ssyncadd.tile.s32 @!p0 $0x1;
	_ =	shalt  }
.Lfunc_end2:
_tile_overlayer_lowered:
.L_overlay_start_2:
0xfd: {  	(tag) =	ssettag $0x2  }
0xfe: {  	s0 =	rddreg [dreg:$0x0];
	s2 =	stileid.u32  }
0xff: {  	s1 =	rddreg [dreg:$0x1];
	p0 =	sne.s32 s2, $0x0  }
0x100: {  	s3 =	rddreg [dreg:$0x2];
	[bflag:$0x3] =	sbarrier.arrive $0xFFFF;
	s2 =	simm.s32 @!p0 $0x1C03  }
0x101: {  	[timem:s3], [sflag:s2] =	dma.local @!p0 [hbm:s0], s1  }
0x102: {  	s0 =	simm.s32 @!p0 $0x3  }
0x103: {  	_ =	swait.ge @!p0 [sflag:s0], s1  }
0x104: {  	s1 =	ssub.s32 @!p0 $0x0, s1;
	[sflag:s0] =	ssyncset.done @!p0 $0x0  }
0x105: {  	[sflag:s0] =	ssyncadd.s32 @!p0 s1  }
0x106: {  	[bflag:$0x3] =	sbarrier.arrive $0xFFFF  }
0x107: {  	_ =	shalt  }

</sc_bundles>
